<compile_context>
chip_gen: v7x
topology: tpu7x:2x2x1
jax: 0.10.2.dev20260603
libtpu: 0.0.44.dev20260713+nightly
codegen_flags: <defaults>
</compile_context>

<pallas_src>
import functools
import math

import jax
import jax.numpy as jnp
from jax import lax
from jax.experimental import pallas as pl
from jax.experimental.pallas import tpu as pltpu
from jax.experimental.pallas import tpu_sc as plsc

D_MODEL = 64
CHUNK = 128
LANES = 16
SCALE = math.sqrt(D_MODEL)
NBUF = 4
NOBUF = 2
PF = 3
SKEW = 1


def _splat(val):
    return jnp.full((LANES,), 0, jnp.int32) + val


@jax.jit
def _run(x_t, table_pad):
    info = plsc.get_sparse_core_info()
    nc, ns = info.num_cores, info.num_subcores
    seq, batch = x_t.shape

    mesh = plsc.VectorSubcoreMesh(core_axis_name="c", subcore_axis_name="s")

    @functools.partial(
        pl.kernel,
        mesh=mesh,
        compiler_params=pltpu.CompilerParams(
            use_tc_tiling_on_sc=True, needs_layout_passes=False
        ),
        out_type=jax.ShapeDtypeStruct((seq, D_MODEL, batch), jnp.float32),
        scratch_types=(
            [pltpu.VMEM((seq, CHUNK), jnp.int32)]
            + [pltpu.VMEM((CHUNK, CHUNK), jnp.float32) for _ in range(NBUF)]
            + [pltpu.VMEM((D_MODEL, CHUNK), jnp.float32) for _ in range(NOBUF)]
            + [pltpu.SemaphoreType.DMA for _ in range(NBUF + NOBUF)]
        ),
    )
    def emb(x_hbm, tbl_hbm, out_hbm, idx_v, *bufs_and_sems):
        gbuf = bufs_and_sems[:NBUF]
        obuf = bufs_and_sems[NBUF : NBUF + NOBUF]
        gsem = bufs_and_sems[NBUF + NOBUF : 2 * NBUF + NOBUF]
        ssem = bufs_and_sems[2 * NBUF + NOBUF : 2 * NBUF + 2 * NOBUF]
        wid = lax.axis_index("s") * nc + lax.axis_index("c")
        col0 = wid * CHUNK
        pltpu.sync_copy(x_hbm.at[:, pl.ds(col0, CHUNK)], idx_v)

        def gather_copy(b, j):
            return pltpu.make_async_copy(
                tbl_hbm.at[idx_v.at[j]], gbuf[b], gsem[b]
            )

        def store_copy(b, j):
            return pltpu.make_async_copy(
                obuf[b], out_hbm.at[j, :, pl.ds(col0, CHUNK)], ssem[b]
            )

        for b in range(PF):
            gather_copy(b, b).start()

        def outer(gi, carry):
            for b in range(NBUF):
                j = gi * NBUF + b
                jp = j + PF
                bp = (b + PF) % NBUF

                @pl.when(jp < seq)
                def _():
                    gather_copy(bp, jp).start()

                gather_copy(b, j).wait()
                bo = b % NOBUF

                @pl.when(j >= NOBUF)
                def _():
                    store_copy(bo, j - NOBUF).wait()

                @plsc.parallel_loop(0, D_MODEL, 1, unroll=2)
                def _(k):
                    colv = _splat(k)
                    for g in range(CHUNK // LANES):
                        row_ids = jax.lax.iota(jnp.int32, LANES) + (g * LANES)
                        vals = plsc.load_gather(gbuf[b], [row_ids, colv])
                        obuf[bo][k, pl.ds(g * LANES, LANES)] = vals * SCALE

                store_copy(bo, j).start()
            return carry

        lax.fori_loop(0, seq // NBUF, outer, 0)
        for b in range(NOBUF):
            store_copy(b, seq - NOBUF + b).wait()

    return emb(x_t, table_pad)


def kernel(x, table):
    b, s = x.shape
    x_t = jnp.swapaxes(x, 0, 1).astype(jnp.int32)
    table_pad = lax.dynamic_update_slice(
        jnp.zeros((table.shape[0], CHUNK), jnp.float32), table, (0, 0)
    )
    out_t = _run(x_t, table_pad)
    return jnp.transpose(out_t, (2, 0, 1))

# --- scband reference (transcript-rebuilt; emitter-appended) ---
"""Pipeline reference for scband-token-embedding-52295521796812 (READ-ONLY COPY).

The authoritative reference and input builder live on the scoring server;
editing this copy changes nothing except your own understanding.
"""

import jax, jax.numpy as jnp
import numpy as np
import math

D_MODEL = 64
VOCAB_SIZE = 1000000

def setup_inputs(seed: int = 0) -> dict:
    key = jax.random.key(seed)
    k1, k2 = jax.random.split(key)
    x = jax.random.randint(k1, (4096, 200), 0, VOCAB_SIZE, dtype=jnp.int64 if jax.config.jax_enable_x64 else jnp.int32)
    table = jax.random.normal(k2, (VOCAB_SIZE, D_MODEL), dtype=jnp.float32)
    return {"x": x, "table": table}

def reference(x, table):
    # out = embedding(x) * sqrt(d_model)
    out = jnp.take(table, x, axis=0) * math.sqrt(D_MODEL)
    return out

if __name__ == "__main__":
    import jax
    _d = setup_inputs()
    print(jax.jit(kernel)(*tuple(_d.values())))

</pallas_src>

<mosaic_0001>
#map = affine_map<(d0, d1) -> (0, 0)>
#map1 = affine_map<(d0, d1) -> (0, 0, 0)>
module attributes {stable_mosaic.version = 14 : i64} {
  func.func @emb(%arg0: i32, %arg1: i32, %arg2: memref<200x4096xi32, #tpu.memory_space<hbm>>, %arg3: memref<1000000x128xf32, #tpu.memory_space<hbm>>, %arg4: memref<200x64x4096xf32, #tpu.memory_space<hbm>>, %arg5: memref<200x128xi32, #tpu.memory_space<vmem>>, %arg6: memref<128x128xf32, #tpu.memory_space<vmem>>, %arg7: memref<128x128xf32, #tpu.memory_space<vmem>>, %arg8: memref<128x128xf32, #tpu.memory_space<vmem>>, %arg9: memref<128x128xf32, #tpu.memory_space<vmem>>, %arg10: memref<64x128xf32, #tpu.memory_space<vmem>>, %arg11: memref<64x128xf32, #tpu.memory_space<vmem>>, %arg12: memref<!tpu.dma_semaphore, #tpu.memory_space<semaphore_mem>>, %arg13: memref<!tpu.dma_semaphore, #tpu.memory_space<semaphore_mem>>, %arg14: memref<!tpu.dma_semaphore, #tpu.memory_space<semaphore_mem>>, %arg15: memref<!tpu.dma_semaphore, #tpu.memory_space<semaphore_mem>>, %arg16: memref<!tpu.dma_semaphore, #tpu.memory_space<semaphore_mem>>, %arg17: memref<!tpu.dma_semaphore, #tpu.memory_space<semaphore_mem>>) attributes {dimension_semantics = [#tpu.dimension_semantics<core_parallel>, #tpu.dimension_semantics<subcore_parallel>], iteration_bounds = array<i64: 2, 16>, scalar_prefetch = 0 : i64, scratch_operands = 13 : i64, tpu.core_type = #tpu.core_type<sc_vector_subcore>, window_params = [{transform_indices = #map}, {transform_indices = #map}, {transform_indices = #map1}]} {
    %mul3A = arith.constant 2 : i32
    %mul3A_0 = arith.muli %arg1, %mul3A : i32
    %add3A = arith.addi %mul3A_0, %arg0 : i32
    %mul3A_1 = arith.constant 128 : i32
    %mul3A_2 = arith.muli %add3A, %mul3A_1 : i32
    "tpu.region"() ({
      %run_scoped3A = tpu.sem_alloc : memref<!tpu.dma_semaphore, #tpu.memory_space<semaphore_mem>>
      %dma_start3A_41 = arith.constant 0 : i32
      %dma_start3A_42 = tpu.memref_slice %arg2[%dma_start3A_41, %mul3A_2] : memref<200x4096xi32, #tpu.memory_space<hbm>> -> memref<200x128xi32, #tpu.memory_space<hbm>>
      %dma_start3A_43 = arith.constant 0 : i32
      %dma_start3A_44 = tpu.memref_slice %arg2[%dma_start3A_43, %mul3A_2] : memref<200x4096xi32, #tpu.memory_space<hbm>> -> memref<200x128xi32, #tpu.memory_space<hbm>>
      tpu.enqueue_dma source(%dma_start3A_44 : memref<200x128xi32, #tpu.memory_space<hbm>>) target(%arg5 : memref<200x128xi32, #tpu.memory_space<vmem>>) target_semaphore(%run_scoped3A : memref<!tpu.dma_semaphore, #tpu.memory_space<semaphore_mem>>)
      %dma_wait3A_45 = arith.constant 0 : i32
      %dma_wait3A_46 = tpu.memref_slice %arg2[%dma_wait3A_45, %mul3A_2] : memref<200x4096xi32, #tpu.memory_space<hbm>> -> memref<200x128xi32, #tpu.memory_space<hbm>>
      %dma_wait3A_47 = arith.constant 0 : i32
      %dma_wait3A_48 = tpu.memref_slice %arg2[%dma_wait3A_47, %mul3A_2] : memref<200x4096xi32, #tpu.memory_space<hbm>> -> memref<200x128xi32, #tpu.memory_space<hbm>>
      tpu.wait_dma2 semaphore(%run_scoped3A : memref<!tpu.dma_semaphore, #tpu.memory_space<semaphore_mem>>) src(%dma_wait3A_48 : memref<200x128xi32, #tpu.memory_space<hbm>>) dst(%arg5 : memref<200x128xi32, #tpu.memory_space<vmem>>)
      tpu.yield
    }) : () -> ()
    %dma_start3A = arith.constant 0 : i32
    %dma_start3A_3 = arith.constant 0 : i32
    %dma_start3A_4 = tpu.memref_slice %arg5[%dma_start3A, %dma_start3A_3] : memref<200x128xi32, #tpu.memory_space<vmem>> -> memref<1x128xi32, #tpu.memory_space<vmem>>
    %dma_start3A_5 = tpu.memref_squeeze %dma_start3A_4 : memref<1x128xi32, #tpu.memory_space<vmem>> -> memref<128xi32, #tpu.memory_space<vmem>>
    %dma_start3A_6 = arith.constant 0 : i32
    %dma_start3A_7 = arith.constant 0 : i32
    %dma_start3A_8 = tpu.memref_slice %arg3[%dma_start3A_6, %dma_start3A_7] : memref<1000000x128xf32, #tpu.memory_space<hbm>> -> memref<1000000x128xf32, #tpu.memory_space<hbm>>
    tpu.enqueue_indirect_dma source(%dma_start3A_8 : memref<1000000x128xf32, #tpu.memory_space<hbm>>) target(%arg6 : memref<128x128xf32, #tpu.memory_space<vmem>>) offsets(%dma_start3A_5 : memref<128xi32, #tpu.memory_space<vmem>>) semaphore(%arg12 : memref<!tpu.dma_semaphore, #tpu.memory_space<semaphore_mem>>)
    %dma_start3A_9 = arith.constant 1 : i32
    %dma_start3A_10 = arith.constant 0 : i32
    %dma_start3A_11 = tpu.memref_slice %arg5[%dma_start3A_9, %dma_start3A_10] : memref<200x128xi32, #tpu.memory_space<vmem>> -> memref<1x128xi32, #tpu.memory_space<vmem>>
    %dma_start3A_12 = tpu.memref_squeeze %dma_start3A_11 : memref<1x128xi32, #tpu.memory_space<vmem>> -> memref<128xi32, #tpu.memory_space<vmem>>
    %dma_start3A_13 = arith.constant 0 : i32
    %dma_start3A_14 = arith.constant 0 : i32
    %dma_start3A_15 = tpu.memref_slice %arg3[%dma_start3A_13, %dma_start3A_14] : memref<1000000x128xf32, #tpu.memory_space<hbm>> -> memref<1000000x128xf32, #tpu.memory_space<hbm>>
    tpu.enqueue_indirect_dma source(%dma_start3A_15 : memref<1000000x128xf32, #tpu.memory_space<hbm>>) target(%arg7 : memref<128x128xf32, #tpu.memory_space<vmem>>) offsets(%dma_start3A_12 : memref<128xi32, #tpu.memory_space<vmem>>) semaphore(%arg13 : memref<!tpu.dma_semaphore, #tpu.memory_space<semaphore_mem>>)
    %dma_start3A_16 = arith.constant 2 : i32
    %dma_start3A_17 = arith.constant 0 : i32
    %dma_start3A_18 = tpu.memref_slice %arg5[%dma_start3A_16, %dma_start3A_17] : memref<200x128xi32, #tpu.memory_space<vmem>> -> memref<1x128xi32, #tpu.memory_space<vmem>>
    %dma_start3A_19 = tpu.memref_squeeze %dma_start3A_18 : memref<1x128xi32, #tpu.memory_space<vmem>> -> memref<128xi32, #tpu.memory_space<vmem>>
    %dma_start3A_20 = arith.constant 0 : i32
    %dma_start3A_21 = arith.constant 0 : i32
    %dma_start3A_22 = tpu.memref_slice %arg3[%dma_start3A_20, %dma_start3A_21] : memref<1000000x128xf32, #tpu.memory_space<hbm>> -> memref<1000000x128xf32, #tpu.memory_space<hbm>>
    tpu.enqueue_indirect_dma source(%dma_start3A_22 : memref<1000000x128xf32, #tpu.memory_space<hbm>>) target(%arg8 : memref<128x128xf32, #tpu.memory_space<vmem>>) offsets(%dma_start3A_19 : memref<128xi32, #tpu.memory_space<vmem>>) semaphore(%arg14 : memref<!tpu.dma_semaphore, #tpu.memory_space<semaphore_mem>>)
    %scan3A = arith.constant 0 : i32
    %scan3A_23 = arith.constant 0 : i32
    %scan3A_24 = arith.constant 50 : i32
    %scan3A_25 = arith.addi %scan3A_23, %scan3A_24 : i32
    %scan3A_26 = arith.constant 1 : i32
    scf.for %scan3A_41 = %scan3A_23 to %scan3A_25 step %scan3A_26  : i32 {
      %mul3A_42 = arith.constant 4 : i32
      %mul3A_43 = arith.muli %scan3A_41, %mul3A_42 : i32
      %add3A_44 = arith.constant 0 : i32
      %add3A_45 = arith.addi %mul3A_43, %add3A_44 : i32
      %add3A_46 = arith.constant 3 : i32
      %add3A_47 = arith.addi %add3A_45, %add3A_46 : i32
      %lt3A = arith.constant 200 : i32
      %lt3A_48 = arith.cmpi slt, %add3A_47, %lt3A : i32
      %convert_element_type3A = arith.extui %lt3A_48 : i1 to i32
      %cond3A = arith.constant 0 : i32
      %cond3A_49 = arith.cmpi ne, %convert_element_type3A, %cond3A : i32
      scf.if %cond3A_49 {
        %dma_start3A_161 = arith.constant 0 : i32
        %dma_start3A_162 = tpu.memref_slice %arg5[%add3A_47, %dma_start3A_161] : memref<200x128xi32, #tpu.memory_space<vmem>> -> memref<1x128xi32, #tpu.memory_space<vmem>>
        %dma_start3A_163 = tpu.memref_squeeze %dma_start3A_162 : memref<1x128xi32, #tpu.memory_space<vmem>> -> memref<128xi32, #tpu.memory_space<vmem>>
        %dma_start3A_164 = arith.constant 0 : i32
        %dma_start3A_165 = arith.constant 0 : i32
        %dma_start3A_166 = tpu.memref_slice %arg3[%dma_start3A_164, %dma_start3A_165] : memref<1000000x128xf32, #tpu.memory_space<hbm>> -> memref<1000000x128xf32, #tpu.memory_space<hbm>>
        tpu.enqueue_indirect_dma source(%dma_start3A_166 : memref<1000000x128xf32, #tpu.memory_space<hbm>>) target(%arg9 : memref<128x128xf32, #tpu.memory_space<vmem>>) offsets(%dma_start3A_163 : memref<128xi32, #tpu.memory_space<vmem>>) semaphore(%arg15 : memref<!tpu.dma_semaphore, #tpu.memory_space<semaphore_mem>>)
      } else {
      }
      %dma_wait3A_50 = arith.constant 0 : i32
      %dma_wait3A_51 = tpu.memref_slice %arg5[%add3A_45, %dma_wait3A_50] : memref<200x128xi32, #tpu.memory_space<vmem>> -> memref<1x128xi32, #tpu.memory_space<vmem>>
      %dma_wait3A_52 = tpu.memref_squeeze %dma_wait3A_51 : memref<1x128xi32, #tpu.memory_space<vmem>> -> memref<128xi32, #tpu.memory_space<vmem>>
      %dma_wait3A_53 = arith.constant 0 : i32
      %dma_wait3A_54 = arith.constant 0 : i32
      %dma_wait3A_55 = tpu.memref_slice %arg3[%dma_wait3A_53, %dma_wait3A_54] : memref<1000000x128xf32, #tpu.memory_space<hbm>> -> memref<1000000x128xf32, #tpu.memory_space<hbm>>
      tpu.wait_indirect_dma semaphore(%arg12 : memref<!tpu.dma_semaphore, #tpu.memory_space<semaphore_mem>>) src(%dma_wait3A_55 : memref<1000000x128xf32, #tpu.memory_space<hbm>>) dst(%arg6 : memref<128x128xf32, #tpu.memory_space<vmem>>)
      %ge3A = arith.constant 2 : i32
      %ge3A_56 = arith.cmpi sge, %add3A_45, %ge3A : i32
      %convert_element_type3A_57 = arith.extui %ge3A_56 : i1 to i32
      %cond3A_58 = arith.constant 0 : i32
      %cond3A_59 = arith.cmpi ne, %convert_element_type3A_57, %cond3A_58 : i32
      scf.if %cond3A_59 {
        %sub3A = arith.constant 2 : i32
        %sub3A_161 = arith.subi %add3A_45, %sub3A : i32
        %dma_wait3A_162 = arith.constant 0 : i32
        %dma_wait3A_163 = tpu.memref_slice %arg4[%sub3A_161, %dma_wait3A_162, %mul3A_2] : memref<200x64x4096xf32, #tpu.memory_space<hbm>> -> memref<1x64x128xf32, #tpu.memory_space<hbm>>
        %dma_wait3A_164 = tpu.memref_squeeze %dma_wait3A_163 : memref<1x64x128xf32, #tpu.memory_space<hbm>> -> memref<64x128xf32, #tpu.memory_space<hbm>>
        %dma_wait3A_165 = arith.constant 0 : i32
        %dma_wait3A_166 = tpu.memref_slice %arg4[%sub3A_161, %dma_wait3A_165, %mul3A_2] : memref<200x64x4096xf32, #tpu.memory_space<hbm>> -> memref<1x64x128xf32, #tpu.memory_space<hbm>>
        %dma_wait3A_167 = tpu.memref_squeeze %dma_wait3A_166 : memref<1x64x128xf32, #tpu.memory_space<hbm>> -> memref<64x128xf32, #tpu.memory_space<hbm>>
        tpu.wait_dma2 semaphore(%arg16 : memref<!tpu.dma_semaphore, #tpu.memory_space<semaphore_mem>>) src(%arg10 : memref<64x128xf32, #tpu.memory_space<vmem>>) dst(%dma_wait3A_167 : memref<64x128xf32, #tpu.memory_space<hbm>>)
      } else {
      }
      %parallel_loop3A = arith.constant 0 : i32
      %parallel_loop3A_60 = arith.constant 64 : i32
      %parallel_loop3A_61 = arith.constant 1 : i32
      scf.for %parallel_loop3A_161 = %parallel_loop3A to %parallel_loop3A_60 step %parallel_loop3A_61  : i32 {
        %parallel_loop3A_162 = arith.constant 0 : i32
        %parallel_loop3A_163 = vector.broadcast %parallel_loop3A_162 : i32 to vector<16xi32>
        %parallel_loop3A_164 = vector.broadcast %parallel_loop3A_161 : i32 to vector<16xi32>
        %parallel_loop3A_165 = arith.addi %parallel_loop3A_163, %parallel_loop3A_164 : vector<16xi32>
        %parallel_loop3A_166 = tpu.iota {dimensions = array<i32: 0>} : vector<16xi32>
        %parallel_loop3A_167 = arith.constant 0 : i32
        %parallel_loop3A_168 = vector.broadcast %parallel_loop3A_167 : i32 to vector<16xi32>
        %parallel_loop3A_169 = arith.addi %parallel_loop3A_166, %parallel_loop3A_168 : vector<16xi32>
        %parallel_loop3A_170 = tpu.vector_load_idx %arg6[%parallel_loop3A_169, %parallel_loop3A_165] : memref<128x128xf32, #tpu.memory_space<vmem>>[vector<16xi32>, vector<16xi32>], vector<16xf32>,
        %parallel_loop3A_171 = arith.constant 8.000000e+00 : f32
        %parallel_loop3A_172 = vector.broadcast %parallel_loop3A_171 : f32 to vector<16xf32>
        %parallel_loop3A_173 = arith.mulf %parallel_loop3A_170, %parallel_loop3A_172 : vector<16xf32>
        %parallel_loop3A_174 = arith.index_cast %parallel_loop3A_161 : i32 to index
        %parallel_loop3A_175 = arith.constant 0 : index
        %parallel_loop3A_176 = tpu.vector_load %arg10[%parallel_loop3A_174, %parallel_loop3A_175] {strides = array<i32>} : memref<64x128xf32, #tpu.memory_space<vmem>>, vector<16xf32>,
        tpu.vector_store %arg10[%parallel_loop3A_174, %parallel_loop3A_175], %parallel_loop3A_173 {strides = array<i32>} : memref<64x128xf32, #tpu.memory_space<vmem>>, vector<16xf32>,
        %parallel_loop3A_177 = tpu.iota {dimensions = array<i32: 0>} : vector<16xi32>
        %parallel_loop3A_178 = arith.constant 16 : i32
        %parallel_loop3A_179 = vector.broadcast %parallel_loop3A_178 : i32 to vector<16xi32>
        %parallel_loop3A_180 = arith.addi %parallel_loop3A_177, %parallel_loop3A_179 : vector<16xi32>
        %parallel_loop3A_181 = tpu.vector_load_idx %arg6[%parallel_loop3A_180, %parallel_loop3A_165] : memref<128x128xf32, #tpu.memory_space<vmem>>[vector<16xi32>, vector<16xi32>], vector<16xf32>,
        %parallel_loop3A_182 = arith.constant 8.000000e+00 : f32
        %parallel_loop3A_183 = vector.broadcast %parallel_loop3A_182 : f32 to vector<16xf32>
        %parallel_loop3A_184 = arith.mulf %parallel_loop3A_181, %parallel_loop3A_183 : vector<16xf32>
        %parallel_loop3A_185 = arith.index_cast %parallel_loop3A_161 : i32 to index
        %parallel_loop3A_186 = arith.constant 16 : index
        %parallel_loop3A_187 = tpu.vector_load %arg10[%parallel_loop3A_185, %parallel_loop3A_186] {strides = array<i32>} : memref<64x128xf32, #tpu.memory_space<vmem>>, vector<16xf32>,
        tpu.vector_store %arg10[%parallel_loop3A_185, %parallel_loop3A_186], %parallel_loop3A_184 {strides = array<i32>} : memref<64x128xf32, #tpu.memory_space<vmem>>, vector<16xf32>,
        %parallel_loop3A_188 = tpu.iota {dimensions = array<i32: 0>} : vector<16xi32>
        %parallel_loop3A_189 = arith.constant 32 : i32
        %parallel_loop3A_190 = vector.broadcast %parallel_loop3A_189 : i32 to vector<16xi32>
        %parallel_loop3A_191 = arith.addi %parallel_loop3A_188, %parallel_loop3A_190 : vector<16xi32>
        %parallel_loop3A_192 = tpu.vector_load_idx %arg6[%parallel_loop3A_191, %parallel_loop3A_165] : memref<128x128xf32, #tpu.memory_space<vmem>>[vector<16xi32>, vector<16xi32>], vector<16xf32>,
        %parallel_loop3A_193 = arith.constant 8.000000e+00 : f32
        %parallel_loop3A_194 = vector.broadcast %parallel_loop3A_193 : f32 to vector<16xf32>
        %parallel_loop3A_195 = arith.mulf %parallel_loop3A_192, %parallel_loop3A_194 : vector<16xf32>
        %parallel_loop3A_196 = arith.index_cast %parallel_loop3A_161 : i32 to index
        %parallel_loop3A_197 = arith.constant 32 : index
        %parallel_loop3A_198 = tpu.vector_load %arg10[%parallel_loop3A_196, %parallel_loop3A_197] {strides = array<i32>} : memref<64x128xf32, #tpu.memory_space<vmem>>, vector<16xf32>,
        tpu.vector_store %arg10[%parallel_loop3A_196, %parallel_loop3A_197], %parallel_loop3A_195 {strides = array<i32>} : memref<64x128xf32, #tpu.memory_space<vmem>>, vector<16xf32>,
        %parallel_loop3A_199 = tpu.iota {dimensions = array<i32: 0>} : vector<16xi32>
        %parallel_loop3A_200 = arith.constant 48 : i32
        %parallel_loop3A_201 = vector.broadcast %parallel_loop3A_200 : i32 to vector<16xi32>
        %parallel_loop3A_202 = arith.addi %parallel_loop3A_199, %parallel_loop3A_201 : vector<16xi32>
        %parallel_loop3A_203 = tpu.vector_load_idx %arg6[%parallel_loop3A_202, %parallel_loop3A_165] : memref<128x128xf32, #tpu.memory_space<vmem>>[vector<16xi32>, vector<16xi32>], vector<16xf32>,
        %parallel_loop3A_204 = arith.constant 8.000000e+00 : f32
        %parallel_loop3A_205 = vector.broadcast %parallel_loop3A_204 : f32 to vector<16xf32>
        %parallel_loop3A_206 = arith.mulf %parallel_loop3A_203, %parallel_loop3A_205 : vector<16xf32>
        %parallel_loop3A_207 = arith.index_cast %parallel_loop3A_161 : i32 to index
        %parallel_loop3A_208 = arith.constant 48 : index
        %parallel_loop3A_209 = tpu.vector_load %arg10[%parallel_loop3A_207, %parallel_loop3A_208] {strides = array<i32>} : memref<64x128xf32, #tpu.memory_space<vmem>>, vector<16xf32>,
        tpu.vector_store %arg10[%parallel_loop3A_207, %parallel_loop3A_208], %parallel_loop3A_206 {strides = array<i32>} : memref<64x128xf32, #tpu.memory_space<vmem>>, vector<16xf32>,
        %parallel_loop3A_210 = tpu.iota {dimensions = array<i32: 0>} : vector<16xi32>
        %parallel_loop3A_211 = arith.constant 64 : i32
        %parallel_loop3A_212 = vector.broadcast %parallel_loop3A_211 : i32 to vector<16xi32>
        %parallel_loop3A_213 = arith.addi %parallel_loop3A_210, %parallel_loop3A_212 : vector<16xi32>
        %parallel_loop3A_214 = tpu.vector_load_idx %arg6[%parallel_loop3A_213, %parallel_loop3A_165] : memref<128x128xf32, #tpu.memory_space<vmem>>[vector<16xi32>, vector<16xi32>], vector<16xf32>,
        %parallel_loop3A_215 = arith.constant 8.000000e+00 : f32
        %parallel_loop3A_216 = vector.broadcast %parallel_loop3A_215 : f32 to vector<16xf32>
        %parallel_loop3A_217 = arith.mulf %parallel_loop3A_214, %parallel_loop3A_216 : vector<16xf32>
        %parallel_loop3A_218 = arith.index_cast %parallel_loop3A_161 : i32 to index
        %parallel_loop3A_219 = arith.constant 64 : index
        %parallel_loop3A_220 = tpu.vector_load %arg10[%parallel_loop3A_218, %parallel_loop3A_219] {strides = array<i32>} : memref<64x128xf32, #tpu.memory_space<vmem>>, vector<16xf32>,
        tpu.vector_store %arg10[%parallel_loop3A_218, %parallel_loop3A_219], %parallel_loop3A_217 {strides = array<i32>} : memref<64x128xf32, #tpu.memory_space<vmem>>, vector<16xf32>,
        %parallel_loop3A_221 = tpu.iota {dimensions = array<i32: 0>} : vector<16xi32>
        %parallel_loop3A_222 = arith.constant 80 : i32
        %parallel_loop3A_223 = vector.broadcast %parallel_loop3A_222 : i32 to vector<16xi32>
        %parallel_loop3A_224 = arith.addi %parallel_loop3A_221, %parallel_loop3A_223 : vector<16xi32>
        %parallel_loop3A_225 = tpu.vector_load_idx %arg6[%parallel_loop3A_224, %parallel_loop3A_165] : memref<128x128xf32, #tpu.memory_space<vmem>>[vector<16xi32>, vector<16xi32>], vector<16xf32>,
        %parallel_loop3A_226 = arith.constant 8.000000e+00 : f32
        %parallel_loop3A_227 = vector.broadcast %parallel_loop3A_226 : f32 to vector<16xf32>
        %parallel_loop3A_228 = arith.mulf %parallel_loop3A_225, %parallel_loop3A_227 : vector<16xf32>
        %parallel_loop3A_229 = arith.index_cast %parallel_loop3A_161 : i32 to index
        %parallel_loop3A_230 = arith.constant 80 : index
        %parallel_loop3A_231 = tpu.vector_load %arg10[%parallel_loop3A_229, %parallel_loop3A_230] {strides = array<i32>} : memref<64x128xf32, #tpu.memory_space<vmem>>, vector<16xf32>,
        tpu.vector_store %arg10[%parallel_loop3A_229, %parallel_loop3A_230], %parallel_loop3A_228 {strides = array<i32>} : memref<64x128xf32, #tpu.memory_space<vmem>>, vector<16xf32>,
        %parallel_loop3A_232 = tpu.iota {dimensions = array<i32: 0>} : vector<16xi32>
        %parallel_loop3A_233 = arith.constant 96 : i32
        %parallel_loop3A_234 = vector.broadcast %parallel_loop3A_233 : i32 to vector<16xi32>
        %parallel_loop3A_235 = arith.addi %parallel_loop3A_232, %parallel_loop3A_234 : vector<16xi32>
        %parallel_loop3A_236 = tpu.vector_load_idx %arg6[%parallel_loop3A_235, %parallel_loop3A_165] : memref<128x128xf32, #tpu.memory_space<vmem>>[vector<16xi32>, vector<16xi32>], vector<16xf32>,
        %parallel_loop3A_237 = arith.constant 8.000000e+00 : f32
        %parallel_loop3A_238 = vector.broadcast %parallel_loop3A_237 : f32 to vector<16xf32>
        %parallel_loop3A_239 = arith.mulf %parallel_loop3A_236, %parallel_loop3A_238 : vector<16xf32>
        %parallel_loop3A_240 = arith.index_cast %parallel_loop3A_161 : i32 to index
        %parallel_loop3A_241 = arith.constant 96 : index
        %parallel_loop3A_242 = tpu.vector_load %arg10[%parallel_loop3A_240, %parallel_loop3A_241] {strides = array<i32>} : memref<64x128xf32, #tpu.memory_space<vmem>>, vector<16xf32>,
        tpu.vector_store %arg10[%parallel_loop3A_240, %parallel_loop3A_241], %parallel_loop3A_239 {strides = array<i32>} : memref<64x128xf32, #tpu.memory_space<vmem>>, vector<16xf32>,
        %parallel_loop3A_243 = tpu.iota {dimensions = array<i32: 0>} : vector<16xi32>
        %parallel_loop3A_244 = arith.constant 112 : i32
        %parallel_loop3A_245 = vector.broadcast %parallel_loop3A_244 : i32 to vector<16xi32>
        %parallel_loop3A_246 = arith.addi %parallel_loop3A_243, %parallel_loop3A_245 : vector<16xi32>
        %parallel_loop3A_247 = tpu.vector_load_idx %arg6[%parallel_loop3A_246, %parallel_loop3A_165] : memref<128x128xf32, #tpu.memory_space<vmem>>[vector<16xi32>, vector<16xi32>], vector<16xf32>,
        %parallel_loop3A_248 = arith.constant 8.000000e+00 : f32
        %parallel_loop3A_249 = vector.broadcast %parallel_loop3A_248 : f32 to vector<16xf32>
        %parallel_loop3A_250 = arith.mulf %parallel_loop3A_247, %parallel_loop3A_249 : vector<16xf32>
        %parallel_loop3A_251 = arith.index_cast %parallel_loop3A_161 : i32 to index
        %parallel_loop3A_252 = arith.constant 112 : index
        %parallel_loop3A_253 = tpu.vector_load %arg10[%parallel_loop3A_251, %parallel_loop3A_252] {strides = array<i32>} : memref<64x128xf32, #tpu.memory_space<vmem>>, vector<16xf32>,
        tpu.vector_store %arg10[%parallel_loop3A_251, %parallel_loop3A_252], %parallel_loop3A_250 {strides = array<i32>} : memref<64x128xf32, #tpu.memory_space<vmem>>, vector<16xf32>,
      } {sc.loop_unroll_factor = 2 : i64, sc.parallel_access}
      %dma_start3A_62 = arith.constant 0 : i32
      %dma_start3A_63 = tpu.memref_slice %arg4[%add3A_45, %dma_start3A_62, %mul3A_2] : memref<200x64x4096xf32, #tpu.memory_space<hbm>> -> memref<1x64x128xf32, #tpu.memory_space<hbm>>
      %dma_start3A_64 = tpu.memref_squeeze %dma_start3A_63 : memref<1x64x128xf32, #tpu.memory_space<hbm>> -> memref<64x128xf32, #tpu.memory_space<hbm>>
      %dma_start3A_65 = arith.constant 0 : i32
      %dma_start3A_66 = tpu.memref_slice %arg4[%add3A_45, %dma_start3A_65, %mul3A_2] : memref<200x64x4096xf32, #tpu.memory_space<hbm>> -> memref<1x64x128xf32, #tpu.memory_space<hbm>>
      %dma_start3A_67 = tpu.memref_squeeze %dma_start3A_66 : memref<1x64x128xf32, #tpu.memory_space<hbm>> -> memref<64x128xf32, #tpu.memory_space<hbm>>
      tpu.enqueue_dma source(%arg10 : memref<64x128xf32, #tpu.memory_space<vmem>>) target(%dma_start3A_67 : memref<64x128xf32, #tpu.memory_space<hbm>>) target_semaphore(%arg16 : memref<!tpu.dma_semaphore, #tpu.memory_space<semaphore_mem>>)
      %mul3A_68 = arith.constant 4 : i32
      %mul3A_69 = arith.muli %scan3A_41, %mul3A_68 : i32
      %add3A_70 = arith.constant 1 : i32
      %add3A_71 = arith.addi %mul3A_69, %add3A_70 : i32
      %add3A_72 = arith.constant 3 : i32
      %add3A_73 = arith.addi %add3A_71, %add3A_72 : i32
      %lt3A_74 = arith.constant 200 : i32
      %lt3A_75 = arith.cmpi slt, %add3A_73, %lt3A_74 : i32
      %convert_element_type3A_76 = arith.extui %lt3A_75 : i1 to i32
      %cond3A_77 = arith.constant 0 : i32
      %cond3A_78 = arith.cmpi ne, %convert_element_type3A_76, %cond3A_77 : i32
      scf.if %cond3A_78 {
        %dma_start3A_161 = arith.constant 0 : i32
        %dma_start3A_162 = tpu.memref_slice %arg5[%add3A_73, %dma_start3A_161] : memref<200x128xi32, #tpu.memory_space<vmem>> -> memref<1x128xi32, #tpu.memory_space<vmem>>
        %dma_start3A_163 = tpu.memref_squeeze %dma_start3A_162 : memref<1x128xi32, #tpu.memory_space<vmem>> -> memref<128xi32, #tpu.memory_space<vmem>>
        %dma_start3A_164 = arith.constant 0 : i32
        %dma_start3A_165 = arith.constant 0 : i32
        %dma_start3A_166 = tpu.memref_slice %arg3[%dma_start3A_164, %dma_start3A_165] : memref<1000000x128xf32, #tpu.memory_space<hbm>> -> memref<1000000x128xf32, #tpu.memory_space<hbm>>
        tpu.enqueue_indirect_dma source(%dma_start3A_166 : memref<1000000x128xf32, #tpu.memory_space<hbm>>) target(%arg6 : memref<128x128xf32, #tpu.memory_space<vmem>>) offsets(%dma_start3A_163 : memref<128xi32, #tpu.memory_space<vmem>>) semaphore(%arg12 : memref<!tpu.dma_semaphore, #tpu.memory_space<semaphore_mem>>)
      } else {
      }
      %dma_wait3A_79 = arith.constant 0 : i32
      %dma_wait3A_80 = tpu.memref_slice %arg5[%add3A_71, %dma_wait3A_79] : memref<200x128xi32, #tpu.memory_space<vmem>> -> memref<1x128xi32, #tpu.memory_space<vmem>>
      %dma_wait3A_81 = tpu.memref_squeeze %dma_wait3A_80 : memref<1x128xi32, #tpu.memory_space<vmem>> -> memref<128xi32, #tpu.memory_space<vmem>>
      %dma_wait3A_82 = arith.constant 0 : i32
      %dma_wait3A_83 = arith.constant 0 : i32
      %dma_wait3A_84 = tpu.memref_slice %arg3[%dma_wait3A_82, %dma_wait3A_83] : memref<1000000x128xf32, #tpu.memory_space<hbm>> -> memref<1000000x128xf32, #tpu.memory_space<hbm>>
      tpu.wait_indirect_dma semaphore(%arg13 : memref<!tpu.dma_semaphore, #tpu.memory_space<semaphore_mem>>) src(%dma_wait3A_84 : memref<1000000x128xf32, #tpu.memory_space<hbm>>) dst(%arg7 : memref<128x128xf32, #tpu.memory_space<vmem>>)
      %ge3A_85 = arith.constant 2 : i32
      %ge3A_86 = arith.cmpi sge, %add3A_71, %ge3A_85 : i32
      %convert_element_type3A_87 = arith.extui %ge3A_86 : i1 to i32
      %cond3A_88 = arith.constant 0 : i32
      %cond3A_89 = arith.cmpi ne, %convert_element_type3A_87, %cond3A_88 : i32
      scf.if %cond3A_89 {
        %sub3A = arith.constant 2 : i32
        %sub3A_161 = arith.subi %add3A_71, %sub3A : i32
        %dma_wait3A_162 = arith.constant 0 : i32
        %dma_wait3A_163 = tpu.memref_slice %arg4[%sub3A_161, %dma_wait3A_162, %mul3A_2] : memref<200x64x4096xf32, #tpu.memory_space<hbm>> -> memref<1x64x128xf32, #tpu.memory_space<hbm>>
        %dma_wait3A_164 = tpu.memref_squeeze %dma_wait3A_163 : memref<1x64x128xf32, #tpu.memory_space<hbm>> -> memref<64x128xf32, #tpu.memory_space<hbm>>
        %dma_wait3A_165 = arith.constant 0 : i32
        %dma_wait3A_166 = tpu.memref_slice %arg4[%sub3A_161, %dma_wait3A_165, %mul3A_2] : memref<200x64x4096xf32, #tpu.memory_space<hbm>> -> memref<1x64x128xf32, #tpu.memory_space<hbm>>
        %dma_wait3A_167 = tpu.memref_squeeze %dma_wait3A_166 : memref<1x64x128xf32, #tpu.memory_space<hbm>> -> memref<64x128xf32, #tpu.memory_space<hbm>>
        tpu.wait_dma2 semaphore(%arg17 : memref<!tpu.dma_semaphore, #tpu.memory_space<semaphore_mem>>) src(%arg11 : memref<64x128xf32, #tpu.memory_space<vmem>>) dst(%dma_wait3A_167 : memref<64x128xf32, #tpu.memory_space<hbm>>)
      } else {
      }
      %parallel_loop3A_90 = arith.constant 0 : i32
      %parallel_loop3A_91 = arith.constant 64 : i32
      %parallel_loop3A_92 = arith.constant 1 : i32
      scf.for %parallel_loop3A_161 = %parallel_loop3A_90 to %parallel_loop3A_91 step %parallel_loop3A_92  : i32 {
        %parallel_loop3A_162 = arith.constant 0 : i32
        %parallel_loop3A_163 = vector.broadcast %parallel_loop3A_162 : i32 to vector<16xi32>
        %parallel_loop3A_164 = vector.broadcast %parallel_loop3A_161 : i32 to vector<16xi32>
        %parallel_loop3A_165 = arith.addi %parallel_loop3A_163, %parallel_loop3A_164 : vector<16xi32>
        %parallel_loop3A_166 = tpu.iota {dimensions = array<i32: 0>} : vector<16xi32>
        %parallel_loop3A_167 = arith.constant 0 : i32
        %parallel_loop3A_168 = vector.broadcast %parallel_loop3A_167 : i32 to vector<16xi32>
        %parallel_loop3A_169 = arith.addi %parallel_loop3A_166, %parallel_loop3A_168 : vector<16xi32>
        %parallel_loop3A_170 = tpu.vector_load_idx %arg7[%parallel_loop3A_169, %parallel_loop3A_165] : memref<128x128xf32, #tpu.memory_space<vmem>>[vector<16xi32>, vector<16xi32>], vector<16xf32>,
        %parallel_loop3A_171 = arith.constant 8.000000e+00 : f32
        %parallel_loop3A_172 = vector.broadcast %parallel_loop3A_171 : f32 to vector<16xf32>
        %parallel_loop3A_173 = arith.mulf %parallel_loop3A_170, %parallel_loop3A_172 : vector<16xf32>
        %parallel_loop3A_174 = arith.index_cast %parallel_loop3A_161 : i32 to index
        %parallel_loop3A_175 = arith.constant 0 : index
        %parallel_loop3A_176 = tpu.vector_load %arg11[%parallel_loop3A_174, %parallel_loop3A_175] {strides = array<i32>} : memref<64x128xf32, #tpu.memory_space<vmem>>, vector<16xf32>,
        tpu.vector_store %arg11[%parallel_loop3A_174, %parallel_loop3A_175], %parallel_loop3A_173 {strides = array<i32>} : memref<64x128xf32, #tpu.memory_space<vmem>>, vector<16xf32>,
        %parallel_loop3A_177 = tpu.iota {dimensions = array<i32: 0>} : vector<16xi32>
        %parallel_loop3A_178 = arith.constant 16 : i32
        %parallel_loop3A_179 = vector.broadcast %parallel_loop3A_178 : i32 to vector<16xi32>
        %parallel_loop3A_180 = arith.addi %parallel_loop3A_177, %parallel_loop3A_179 : vector<16xi32>
        %parallel_loop3A_181 = tpu.vector_load_idx %arg7[%parallel_loop3A_180, %parallel_loop3A_165] : memref<128x128xf32, #tpu.memory_space<vmem>>[vector<16xi32>, vector<16xi32>], vector<16xf32>,
        %parallel_loop3A_182 = arith.constant 8.000000e+00 : f32
        %parallel_loop3A_183 = vector.broadcast %parallel_loop3A_182 : f32 to vector<16xf32>
        %parallel_loop3A_184 = arith.mulf %parallel_loop3A_181, %parallel_loop3A_183 : vector<16xf32>
        %parallel_loop3A_185 = arith.index_cast %parallel_loop3A_161 : i32 to index
        %parallel_loop3A_186 = arith.constant 16 : index
        %parallel_loop3A_187 = tpu.vector_load %arg11[%parallel_loop3A_185, %parallel_loop3A_186] {strides = array<i32>} : memref<64x128xf32, #tpu.memory_space<vmem>>, vector<16xf32>,
        tpu.vector_store %arg11[%parallel_loop3A_185, %parallel_loop3A_186], %parallel_loop3A_184 {strides = array<i32>} : memref<64x128xf32, #tpu.memory_space<vmem>>, vector<16xf32>,
        %parallel_loop3A_188 = tpu.iota {dimensions = array<i32: 0>} : vector<16xi32>
        %parallel_loop3A_189 = arith.constant 32 : i32
        %parallel_loop3A_190 = vector.broadcast %parallel_loop3A_189 : i32 to vector<16xi32>
        %parallel_loop3A_191 = arith.addi %parallel_loop3A_188, %parallel_loop3A_190 : vector<16xi32>
        %parallel_loop3A_192 = tpu.vector_load_idx %arg7[%parallel_loop3A_191, %parallel_loop3A_165] : memref<128x128xf32, #tpu.memory_space<vmem>>[vector<16xi32>, vector<16xi32>], vector<16xf32>,
        %parallel_loop3A_193 = arith.constant 8.000000e+00 : f32
        %parallel_loop3A_194 = vector.broadcast %parallel_loop3A_193 : f32 to vector<16xf32>
        %parallel_loop3A_195 = arith.mulf %parallel_loop3A_192, %parallel_loop3A_194 : vector<16xf32>
        %parallel_loop3A_196 = arith.index_cast %parallel_loop3A_161 : i32 to index
        %parallel_loop3A_197 = arith.constant 32 : index
        %parallel_loop3A_198 = tpu.vector_load %arg11[%parallel_loop3A_196, %parallel_loop3A_197] {strides = array<i32>} : memref<64x128xf32, #tpu.memory_space<vmem>>, vector<16xf32>,
        tpu.vector_store %arg11[%parallel_loop3A_196, %parallel_loop3A_197], %parallel_loop3A_195 {strides = array<i32>} : memref<64x128xf32, #tpu.memory_space<vmem>>, vector<16xf32>,
        %parallel_loop3A_199 = tpu.iota {dimensions = array<i32: 0>} : vector<16xi32>
        %parallel_loop3A_200 = arith.constant 48 : i32
        %parallel_loop3A_201 = vector.broadcast %parallel_loop3A_200 : i32 to vector<16xi32>
        %parallel_loop3A_202 = arith.addi %parallel_loop3A_199, %parallel_loop3A_201 : vector<16xi32>
        %parallel_loop3A_203 = tpu.vector_load_idx %arg7[%parallel_loop3A_202, %parallel_loop3A_165] : memref<128x128xf32, #tpu.memory_space<vmem>>[vector<16xi32>, vector<16xi32>], vector<16xf32>,
        %parallel_loop3A_204 = arith.constant 8.000000e+00 : f32
        %parallel_loop3A_205 = vector.broadcast %parallel_loop3A_204 : f32 to vector<16xf32>
        %parallel_loop3A_206 = arith.mulf %parallel_loop3A_203, %parallel_loop3A_205 : vector<16xf32>
        %parallel_loop3A_207 = arith.index_cast %parallel_loop3A_161 : i32 to index
        %parallel_loop3A_208 = arith.constant 48 : index
        %parallel_loop3A_209 = tpu.vector_load %arg11[%parallel_loop3A_207, %parallel_loop3A_208] {strides = array<i32>} : memref<64x128xf32, #tpu.memory_space<vmem>>, vector<16xf32>,
        tpu.vector_store %arg11[%parallel_loop3A_207, %parallel_loop3A_208], %parallel_loop3A_206 {strides = array<i32>} : memref<64x128xf32, #tpu.memory_space<vmem>>, vector<16xf32>,
        %parallel_loop3A_210 = tpu.iota {dimensions = array<i32: 0>} : vector<16xi32>
        %parallel_loop3A_211 = arith.constant 64 : i32
        %parallel_loop3A_212 = vector.broadcast %parallel_loop3A_211 : i32 to vector<16xi32>
        %parallel_loop3A_213 = arith.addi %parallel_loop3A_210, %parallel_loop3A_212 : vector<16xi32>
        %parallel_loop3A_214 = tpu.vector_load_idx %arg7[%parallel_loop3A_213, %parallel_loop3A_165] : memref<128x128xf32, #tpu.memory_space<vmem>>[vector<16xi32>, vector<16xi32>], vector<16xf32>,
        %parallel_loop3A_215 = arith.constant 8.000000e+00 : f32
        %parallel_loop3A_216 = vector.broadcast %parallel_loop3A_215 : f32 to vector<16xf32>
        %parallel_loop3A_217 = arith.mulf %parallel_loop3A_214, %parallel_loop3A_216 : vector<16xf32>
        %parallel_loop3A_218 = arith.index_cast %parallel_loop3A_161 : i32 to index
        %parallel_loop3A_219 = arith.constant 64 : index
        %parallel_loop3A_220 = tpu.vector_load %arg11[%parallel_loop3A_218, %parallel_loop3A_219] {strides = array<i32>} : memref<64x128xf32, #tpu.memory_space<vmem>>, vector<16xf32>,
        tpu.vector_store %arg11[%parallel_loop3A_218, %parallel_loop3A_219], %parallel_loop3A_217 {strides = array<i32>} : memref<64x128xf32, #tpu.memory_space<vmem>>, vector<16xf32>,
        %parallel_loop3A_221 = tpu.iota {dimensions = array<i32: 0>} : vector<16xi32>
        %parallel_loop3A_222 = arith.constant 80 : i32
        %parallel_loop3A_223 = vector.broadcast %parallel_loop3A_222 : i32 to vector<16xi32>
        %parallel_loop3A_224 = arith.addi %parallel_loop3A_221, %parallel_loop3A_223 : vector<16xi32>
        %parallel_loop3A_225 = tpu.vector_load_idx %arg7[%parallel_loop3A_224, %parallel_loop3A_165] : memref<128x128xf32, #tpu.memory_space<vmem>>[vector<16xi32>, vector<16xi32>], vector<16xf32>,
        %parallel_loop3A_226 = arith.constant 8.000000e+00 : f32
        %parallel_loop3A_227 = vector.broadcast %parallel_loop3A_226 : f32 to vector<16xf32>
        %parallel_loop3A_228 = arith.mulf %parallel_loop3A_225, %parallel_loop3A_227 : vector<16xf32>
        %parallel_loop3A_229 = arith.index_cast %parallel_loop3A_161 : i32 to index
        %parallel_loop3A_230 = arith.constant 80 : index
        %parallel_loop3A_231 = tpu.vector_load %arg11[%parallel_loop3A_229, %parallel_loop3A_230] {strides = array<i32>} : memref<64x128xf32, #tpu.memory_space<vmem>>, vector<16xf32>,
        tpu.vector_store %arg11[%parallel_loop3A_229, %parallel_loop3A_230], %parallel_loop3A_228 {strides = array<i32>} : memref<64x128xf32, #tpu.memory_space<vmem>>, vector<16xf32>,
        %parallel_loop3A_232 = tpu.iota {dimensions = array<i32: 0>} : vector<16xi32>
        %parallel_loop3A_233 = arith.constant 96 : i32
        %parallel_loop3A_234 = vector.broadcast %parallel_loop3A_233 : i32 to vector<16xi32>
        %parallel_loop3A_235 = arith.addi %parallel_loop3A_232, %parallel_loop3A_234 : vector<16xi32>
        %parallel_loop3A_236 = tpu.vector_load_idx %arg7[%parallel_loop3A_235, %parallel_loop3A_165] : memref<128x128xf32, #tpu.memory_space<vmem>>[vector<16xi32>, vector<16xi32>], vector<16xf32>,
        %parallel_loop3A_237 = arith.constant 8.000000e+00 : f32
        %parallel_loop3A_238 = vector.broadcast %parallel_loop3A_237 : f32 to vector<16xf32>
        %parallel_loop3A_239 = arith.mulf %parallel_loop3A_236, %parallel_loop3A_238 : vector<16xf32>
        %parallel_loop3A_240 = arith.index_cast %parallel_loop3A_161 : i32 to index
        %parallel_loop3A_241 = arith.constant 96 : index
        %parallel_loop3A_242 = tpu.vector_load %arg11[%parallel_loop3A_240, %parallel_loop3A_241] {strides = array<i32>} : memref<64x128xf32, #tpu.memory_space<vmem>>, vector<16xf32>,
        tpu.vector_store %arg11[%parallel_loop3A_240, %parallel_loop3A_241], %parallel_loop3A_239 {strides = array<i32>} : memref<64x128xf32, #tpu.memory_space<vmem>>, vector<16xf32>,
        %parallel_loop3A_243 = tpu.iota {dimensions = array<i32: 0>} : vector<16xi32>
        %parallel_loop3A_244 = arith.constant 112 : i32
        %parallel_loop3A_245 = vector.broadcast %parallel_loop3A_244 : i32 to vector<16xi32>
        %parallel_loop3A_246 = arith.addi %parallel_loop3A_243, %parallel_loop3A_245 : vector<16xi32>
        %parallel_loop3A_247 = tpu.vector_load_idx %arg7[%parallel_loop3A_246, %parallel_loop3A_165] : memref<128x128xf32, #tpu.memory_space<vmem>>[vector<16xi32>, vector<16xi32>], vector<16xf32>,
        %parallel_loop3A_248 = arith.constant 8.000000e+00 : f32
        %parallel_loop3A_249 = vector.broadcast %parallel_loop3A_248 : f32 to vector<16xf32>
        %parallel_loop3A_250 = arith.mulf %parallel_loop3A_247, %parallel_loop3A_249 : vector<16xf32>
        %parallel_loop3A_251 = arith.index_cast %parallel_loop3A_161 : i32 to index
        %parallel_loop3A_252 = arith.constant 112 : index
        %parallel_loop3A_253 = tpu.vector_load %arg11[%parallel_loop3A_251, %parallel_loop3A_252] {strides = array<i32>} : memref<64x128xf32, #tpu.memory_space<vmem>>, vector<16xf32>,
        tpu.vector_store %arg11[%parallel_loop3A_251, %parallel_loop3A_252], %parallel_loop3A_250 {strides = array<i32>} : memref<64x128xf32, #tpu.memory_space<vmem>>, vector<16xf32>,
      } {sc.loop_unroll_factor = 2 : i64, sc.parallel_access}
      %dma_start3A_93 = arith.constant 0 : i32
      %dma_start3A_94 = tpu.memref_slice %arg4[%add3A_71, %dma_start3A_93, %mul3A_2] : memref<200x64x4096xf32, #tpu.memory_space<hbm>> -> memref<1x64x128xf32, #tpu.memory_space<hbm>>
      %dma_start3A_95 = tpu.memref_squeeze %dma_start3A_94 : memref<1x64x128xf32, #tpu.memory_space<hbm>> -> memref<64x128xf32, #tpu.memory_space<hbm>>
      %dma_start3A_96 = arith.constant 0 : i32
      %dma_start3A_97 = tpu.memref_slice %arg4[%add3A_71, %dma_start3A_96, %mul3A_2] : memref<200x64x4096xf32, #tpu.memory_space<hbm>> -> memref<1x64x128xf32, #tpu.memory_space<hbm>>
      %dma_start3A_98 = tpu.memref_squeeze %dma_start3A_97 : memref<1x64x128xf32, #tpu.memory_space<hbm>> -> memref<64x128xf32, #tpu.memory_space<hbm>>
      tpu.enqueue_dma source(%arg11 : memref<64x128xf32, #tpu.memory_space<vmem>>) target(%dma_start3A_98 : memref<64x128xf32, #tpu.memory_space<hbm>>) target_semaphore(%arg17 : memref<!tpu.dma_semaphore, #tpu.memory_space<semaphore_mem>>)
      %mul3A_99 = arith.constant 4 : i32
      %mul3A_100 = arith.muli %scan3A_41, %mul3A_99 : i32
      %add3A_101 = arith.constant 2 : i32
      %add3A_102 = arith.addi %mul3A_100, %add3A_101 : i32
      %add3A_103 = arith.constant 3 : i32
      %add3A_104 = arith.addi %add3A_102, %add3A_103 : i32
      %lt3A_105 = arith.constant 200 : i32
      %lt3A_106 = arith.cmpi slt, %add3A_104, %lt3A_105 : i32
      %convert_element_type3A_107 = arith.extui %lt3A_106 : i1 to i32
      %cond3A_108 = arith.constant 0 : i32
      %cond3A_109 = arith.cmpi ne, %convert_element_type3A_107, %cond3A_108 : i32
      scf.if %cond3A_109 {
        %dma_start3A_161 = arith.constant 0 : i32
        %dma_start3A_162 = tpu.memref_slice %arg5[%add3A_104, %dma_start3A_161] : memref<200x128xi32, #tpu.memory_space<vmem>> -> memref<1x128xi32, #tpu.memory_space<vmem>>
        %dma_start3A_163 = tpu.memref_squeeze %dma_start3A_162 : memref<1x128xi32, #tpu.memory_space<vmem>> -> memref<128xi32, #tpu.memory_space<vmem>>
        %dma_start3A_164 = arith.constant 0 : i32
        %dma_start3A_165 = arith.constant 0 : i32
        %dma_start3A_166 = tpu.memref_slice %arg3[%dma_start3A_164, %dma_start3A_165] : memref<1000000x128xf32, #tpu.memory_space<hbm>> -> memref<1000000x128xf32, #tpu.memory_space<hbm>>
        tpu.enqueue_indirect_dma source(%dma_start3A_166 : memref<1000000x128xf32, #tpu.memory_space<hbm>>) target(%arg7 : memref<128x128xf32, #tpu.memory_space<vmem>>) offsets(%dma_start3A_163 : memref<128xi32, #tpu.memory_space<vmem>>) semaphore(%arg13 : memref<!tpu.dma_semaphore, #tpu.memory_space<semaphore_mem>>)
      } else {
      }
      %dma_wait3A_110 = arith.constant 0 : i32
      %dma_wait3A_111 = tpu.memref_slice %arg5[%add3A_102, %dma_wait3A_110] : memref<200x128xi32, #tpu.memory_space<vmem>> -> memref<1x128xi32, #tpu.memory_space<vmem>>
      %dma_wait3A_112 = tpu.memref_squeeze %dma_wait3A_111 : memref<1x128xi32, #tpu.memory_space<vmem>> -> memref<128xi32, #tpu.memory_space<vmem>>
      %dma_wait3A_113 = arith.constant 0 : i32
      %dma_wait3A_114 = arith.constant 0 : i32
      %dma_wait3A_115 = tpu.memref_slice %arg3[%dma_wait3A_113, %dma_wait3A_114] : memref<1000000x128xf32, #tpu.memory_space<hbm>> -> memref<1000000x128xf32, #tpu.memory_space<hbm>>
      tpu.wait_indirect_dma semaphore(%arg14 : memref<!tpu.dma_semaphore, #tpu.memory_space<semaphore_mem>>) src(%dma_wait3A_115 : memref<1000000x128xf32, #tpu.memory_space<hbm>>) dst(%arg8 : memref<128x128xf32, #tpu.memory_space<vmem>>)
      %ge3A_116 = arith.constant 2 : i32
      %ge3A_117 = arith.cmpi sge, %add3A_102, %ge3A_116 : i32
      %convert_element_type3A_118 = arith.extui %ge3A_117 : i1 to i32
      %cond3A_119 = arith.constant 0 : i32
      %cond3A_120 = arith.cmpi ne, %convert_element_type3A_118, %cond3A_119 : i32
      scf.if %cond3A_120 {
        %sub3A = arith.constant 2 : i32
        %sub3A_161 = arith.subi %add3A_102, %sub3A : i32
        %dma_wait3A_162 = arith.constant 0 : i32
        %dma_wait3A_163 = tpu.memref_slice %arg4[%sub3A_161, %dma_wait3A_162, %mul3A_2] : memref<200x64x4096xf32, #tpu.memory_space<hbm>> -> memref<1x64x128xf32, #tpu.memory_space<hbm>>
        %dma_wait3A_164 = tpu.memref_squeeze %dma_wait3A_163 : memref<1x64x128xf32, #tpu.memory_space<hbm>> -> memref<64x128xf32, #tpu.memory_space<hbm>>
        %dma_wait3A_165 = arith.constant 0 : i32
        %dma_wait3A_166 = tpu.memref_slice %arg4[%sub3A_161, %dma_wait3A_165, %mul3A_2] : memref<200x64x4096xf32, #tpu.memory_space<hbm>> -> memref<1x64x128xf32, #tpu.memory_space<hbm>>
        %dma_wait3A_167 = tpu.memref_squeeze %dma_wait3A_166 : memref<1x64x128xf32, #tpu.memory_space<hbm>> -> memref<64x128xf32, #tpu.memory_space<hbm>>
        tpu.wait_dma2 semaphore(%arg16 : memref<!tpu.dma_semaphore, #tpu.memory_space<semaphore_mem>>) src(%arg10 : memref<64x128xf32, #tpu.memory_space<vmem>>) dst(%dma_wait3A_167 : memref<64x128xf32, #tpu.memory_space<hbm>>)
      } else {
      }
      %parallel_loop3A_121 = arith.constant 0 : i32
      %parallel_loop3A_122 = arith.constant 64 : i32
      %parallel_loop3A_123 = arith.constant 1 : i32
      scf.for %parallel_loop3A_161 = %parallel_loop3A_121 to %parallel_loop3A_122 step %parallel_loop3A_123  : i32 {
        %parallel_loop3A_162 = arith.constant 0 : i32
        %parallel_loop3A_163 = vector.broadcast %parallel_loop3A_162 : i32 to vector<16xi32>
        %parallel_loop3A_164 = vector.broadcast %parallel_loop3A_161 : i32 to vector<16xi32>
        %parallel_loop3A_165 = arith.addi %parallel_loop3A_163, %parallel_loop3A_164 : vector<16xi32>
        %parallel_loop3A_166 = tpu.iota {dimensions = array<i32: 0>} : vector<16xi32>
        %parallel_loop3A_167 = arith.constant 0 : i32
        %parallel_loop3A_168 = vector.broadcast %parallel_loop3A_167 : i32 to vector<16xi32>
        %parallel_loop3A_169 = arith.addi %parallel_loop3A_166, %parallel_loop3A_168 : vector<16xi32>
        %parallel_loop3A_170 = tpu.vector_load_idx %arg8[%parallel_loop3A_169, %parallel_loop3A_165] : memref<128x128xf32, #tpu.memory_space<vmem>>[vector<16xi32>, vector<16xi32>], vector<16xf32>,
        %parallel_loop3A_171 = arith.constant 8.000000e+00 : f32
        %parallel_loop3A_172 = vector.broadcast %parallel_loop3A_171 : f32 to vector<16xf32>
        %parallel_loop3A_173 = arith.mulf %parallel_loop3A_170, %parallel_loop3A_172 : vector<16xf32>
        %parallel_loop3A_174 = arith.index_cast %parallel_loop3A_161 : i32 to index
        %parallel_loop3A_175 = arith.constant 0 : index
        %parallel_loop3A_176 = tpu.vector_load %arg10[%parallel_loop3A_174, %parallel_loop3A_175] {strides = array<i32>} : memref<64x128xf32, #tpu.memory_space<vmem>>, vector<16xf32>,
        tpu.vector_store %arg10[%parallel_loop3A_174, %parallel_loop3A_175], %parallel_loop3A_173 {strides = array<i32>} : memref<64x128xf32, #tpu.memory_space<vmem>>, vector<16xf32>,
        %parallel_loop3A_177 = tpu.iota {dimensions = array<i32: 0>} : vector<16xi32>
        %parallel_loop3A_178 = arith.constant 16 : i32
        %parallel_loop3A_179 = vector.broadcast %parallel_loop3A_178 : i32 to vector<16xi32>
        %parallel_loop3A_180 = arith.addi %parallel_loop3A_177, %parallel_loop3A_179 : vector<16xi32>
        %parallel_loop3A_181 = tpu.vector_load_idx %arg8[%parallel_loop3A_180, %parallel_loop3A_165] : memref<128x128xf32, #tpu.memory_space<vmem>>[vector<16xi32>, vector<16xi32>], vector<16xf32>,
        %parallel_loop3A_182 = arith.constant 8.000000e+00 : f32
        %parallel_loop3A_183 = vector.broadcast %parallel_loop3A_182 : f32 to vector<16xf32>
        %parallel_loop3A_184 = arith.mulf %parallel_loop3A_181, %parallel_loop3A_183 : vector<16xf32>
        %parallel_loop3A_185 = arith.index_cast %parallel_loop3A_161 : i32 to index
        %parallel_loop3A_186 = arith.constant 16 : index
        %parallel_loop3A_187 = tpu.vector_load %arg10[%parallel_loop3A_185, %parallel_loop3A_186] {strides = array<i32>} : memref<64x128xf32, #tpu.memory_space<vmem>>, vector<16xf32>,
        tpu.vector_store %arg10[%parallel_loop3A_185, %parallel_loop3A_186], %parallel_loop3A_184 {strides = array<i32>} : memref<64x128xf32, #tpu.memory_space<vmem>>, vector<16xf32>,
        %parallel_loop3A_188 = tpu.iota {dimensions = array<i32: 0>} : vector<16xi32>
        %parallel_loop3A_189 = arith.constant 32 : i32
        %parallel_loop3A_190 = vector.broadcast %parallel_loop3A_189 : i32 to vector<16xi32>
        %parallel_loop3A_191 = arith.addi %parallel_loop3A_188, %parallel_loop3A_190 : vector<16xi32>
        %parallel_loop3A_192 = tpu.vector_load_idx %arg8[%parallel_loop3A_191, %parallel_loop3A_165] : memref<128x128xf32, #tpu.memory_space<vmem>>[vector<16xi32>, vector<16xi32>], vector<16xf32>,
        %parallel_loop3A_193 = arith.constant 8.000000e+00 : f32
        %parallel_loop3A_194 = vector.broadcast %parallel_loop3A_193 : f32 to vector<16xf32>
        %parallel_loop3A_195 = arith.mulf %parallel_loop3A_192, %parallel_loop3A_194 : vector<16xf32>
        %parallel_loop3A_196 = arith.index_cast %parallel_loop3A_161 : i32 to index
        %parallel_loop3A_197 = arith.constant 32 : index
        %parallel_loop3A_198 = tpu.vector_load %arg10[%parallel_loop3A_196, %parallel_loop3A_197] {strides = array<i32>} : memref<64x128xf32, #tpu.memory_space<vmem>>, vector<16xf32>,
        tpu.vector_store %arg10[%parallel_loop3A_196, %parallel_loop3A_197], %parallel_loop3A_195 {strides = array<i32>} : memref<64x128xf32, #tpu.memory_space<vmem>>, vector<16xf32>,
        %parallel_loop3A_199 = tpu.iota {dimensions = array<i32: 0>} : vector<16xi32>
        %parallel_loop3A_200 = arith.constant 48 : i32
        %parallel_loop3A_201 = vector.broadcast %parallel_loop3A_200 : i32 to vector<16xi32>
        %parallel_loop3A_202 = arith.addi %parallel_loop3A_199, %parallel_loop3A_201 : vector<16xi32>
        %parallel_loop3A_203 = tpu.vector_load_idx %arg8[%parallel_loop3A_202, %parallel_loop3A_165] : memref<128x128xf32, #tpu.memory_space<vmem>>[vector<16xi32>, vector<16xi32>], vector<16xf32>,
        %parallel_loop3A_204 = arith.constant 8.000000e+00 : f32
        %parallel_loop3A_205 = vector.broadcast %parallel_loop3A_204 : f32 to vector<16xf32>
        %parallel_loop3A_206 = arith.mulf %parallel_loop3A_203, %parallel_loop3A_205 : vector<16xf32>
        %parallel_loop3A_207 = arith.index_cast %parallel_loop3A_161 : i32 to index
        %parallel_loop3A_208 = arith.constant 48 : index
        %parallel_loop3A_209 = tpu.vector_load %arg10[%parallel_loop3A_207, %parallel_loop3A_208] {strides = array<i32>} : memref<64x128xf32, #tpu.memory_space<vmem>>, vector<16xf32>,
        tpu.vector_store %arg10[%parallel_loop3A_207, %parallel_loop3A_208], %parallel_loop3A_206 {strides = array<i32>} : memref<64x128xf32, #tpu.memory_space<vmem>>, vector<16xf32>,
        %parallel_loop3A_210 = tpu.iota {dimensions = array<i32: 0>} : vector<16xi32>
        %parallel_loop3A_211 = arith.constant 64 : i32
        %parallel_loop3A_212 = vector.broadcast %parallel_loop3A_211 : i32 to vector<16xi32>
        %parallel_loop3A_213 = arith.addi %parallel_loop3A_210, %parallel_loop3A_212 : vector<16xi32>
        %parallel_loop3A_214 = tpu.vector_load_idx %arg8[%parallel_loop3A_213, %parallel_loop3A_165] : memref<128x128xf32, #tpu.memory_space<vmem>>[vector<16xi32>, vector<16xi32>], vector<16xf32>,
        %parallel_loop3A_215 = arith.constant 8.000000e+00 : f32
        %parallel_loop3A_216 = vector.broadcast %parallel_loop3A_215 : f32 to vector<16xf32>
        %parallel_loop3A_217 = arith.mulf %parallel_loop3A_214, %parallel_loop3A_216 : vector<16xf32>
        %parallel_loop3A_218 = arith.index_cast %parallel_loop3A_161 : i32 to index
        %parallel_loop3A_219 = arith.constant 64 : index
        %parallel_loop3A_220 = tpu.vector_load %arg10[%parallel_loop3A_218, %parallel_loop3A_219] {strides = array<i32>} : memref<64x128xf32, #tpu.memory_space<vmem>>, vector<16xf32>,
        tpu.vector_store %arg10[%parallel_loop3A_218, %parallel_loop3A_219], %parallel_loop3A_217 {strides = array<i32>} : memref<64x128xf32, #tpu.memory_space<vmem>>, vector<16xf32>,
        %parallel_loop3A_221 = tpu.iota {dimensions = array<i32: 0>} : vector<16xi32>
        %parallel_loop3A_222 = arith.constant 80 : i32
        %parallel_loop3A_223 = vector.broadcast %parallel_loop3A_222 : i32 to vector<16xi32>
        %parallel_loop3A_224 = arith.addi %parallel_loop3A_221, %parallel_loop3A_223 : vector<16xi32>
        %parallel_loop3A_225 = tpu.vector_load_idx %arg8[%parallel_loop3A_224, %parallel_loop3A_165] : memref<128x128xf32, #tpu.memory_space<vmem>>[vector<16xi32>, vector<16xi32>], vector<16xf32>,
        %parallel_loop3A_226 = arith.constant 8.000000e+00 : f32
        %parallel_loop3A_227 = vector.broadcast %parallel_loop3A_226 : f32 to vector<16xf32>
        %parallel_loop3A_228 = arith.mulf %parallel_loop3A_225, %parallel_loop3A_227 : vector<16xf32>
        %parallel_loop3A_229 = arith.index_cast %parallel_loop3A_161 : i32 to index
        %parallel_loop3A_230 = arith.constant 80 : index
        %parallel_loop3A_231 = tpu.vector_load %arg10[%parallel_loop3A_229, %parallel_loop3A_230] {strides = array<i32>} : memref<64x128xf32, #tpu.memory_space<vmem>>, vector<16xf32>,
        tpu.vector_store %arg10[%parallel_loop3A_229, %parallel_loop3A_230], %parallel_loop3A_228 {strides = array<i32>} : memref<64x128xf32, #tpu.memory_space<vmem>>, vector<16xf32>,
        %parallel_loop3A_232 = tpu.iota {dimensions = array<i32: 0>} : vector<16xi32>
        %parallel_loop3A_233 = arith.constant 96 : i32
        %parallel_loop3A_234 = vector.broadcast %parallel_loop3A_233 : i32 to vector<16xi32>
        %parallel_loop3A_235 = arith.addi %parallel_loop3A_232, %parallel_loop3A_234 : vector<16xi32>
        %parallel_loop3A_236 = tpu.vector_load_idx %arg8[%parallel_loop3A_235, %parallel_loop3A_165] : memref<128x128xf32, #tpu.memory_space<vmem>>[vector<16xi32>, vector<16xi32>], vector<16xf32>,
        %parallel_loop3A_237 = arith.constant 8.000000e+00 : f32
        %parallel_loop3A_238 = vector.broadcast %parallel_loop3A_237 : f32 to vector<16xf32>
        %parallel_loop3A_239 = arith.mulf %parallel_loop3A_236, %parallel_loop3A_238 : vector<16xf32>
        %parallel_loop3A_240 = arith.index_cast %parallel_loop3A_161 : i32 to index
        %parallel_loop3A_241 = arith.constant 96 : index
        %parallel_loop3A_242 = tpu.vector_load %arg10[%parallel_loop3A_240, %parallel_loop3A_241] {strides = array<i32>} : memref<64x128xf32, #tpu.memory_space<vmem>>, vector<16xf32>,
        tpu.vector_store %arg10[%parallel_loop3A_240, %parallel_loop3A_241], %parallel_loop3A_239 {strides = array<i32>} : memref<64x128xf32, #tpu.memory_space<vmem>>, vector<16xf32>,
        %parallel_loop3A_243 = tpu.iota {dimensions = array<i32: 0>} : vector<16xi32>
        %parallel_loop3A_244 = arith.constant 112 : i32
        %parallel_loop3A_245 = vector.broadcast %parallel_loop3A_244 : i32 to vector<16xi32>
        %parallel_loop3A_246 = arith.addi %parallel_loop3A_243, %parallel_loop3A_245 : vector<16xi32>
        %parallel_loop3A_247 = tpu.vector_load_idx %arg8[%parallel_loop3A_246, %parallel_loop3A_165] : memref<128x128xf32, #tpu.memory_space<vmem>>[vector<16xi32>, vector<16xi32>], vector<16xf32>,
        %parallel_loop3A_248 = arith.constant 8.000000e+00 : f32
        %parallel_loop3A_249 = vector.broadcast %parallel_loop3A_248 : f32 to vector<16xf32>
        %parallel_loop3A_250 = arith.mulf %parallel_loop3A_247, %parallel_loop3A_249 : vector<16xf32>
        %parallel_loop3A_251 = arith.index_cast %parallel_loop3A_161 : i32 to index
        %parallel_loop3A_252 = arith.constant 112 : index
        %parallel_loop3A_253 = tpu.vector_load %arg10[%parallel_loop3A_251, %parallel_loop3A_252] {strides = array<i32>} : memref<64x128xf32, #tpu.memory_space<vmem>>, vector<16xf32>,
        tpu.vector_store %arg10[%parallel_loop3A_251, %parallel_loop3A_252], %parallel_loop3A_250 {strides = array<i32>} : memref<64x128xf32, #tpu.memory_space<vmem>>, vector<16xf32>,
      } {sc.loop_unroll_factor = 2 : i64, sc.parallel_access}
      %dma_start3A_124 = arith.constant 0 : i32
      %dma_start3A_125 = tpu.memref_slice %arg4[%add3A_102, %dma_start3A_124, %mul3A_2] : memref<200x64x4096xf32, #tpu.memory_space<hbm>> -> memref<1x64x128xf32, #tpu.memory_space<hbm>>
      %dma_start3A_126 = tpu.memref_squeeze %dma_start3A_125 : memref<1x64x128xf32, #tpu.memory_space<hbm>> -> memref<64x128xf32, #tpu.memory_space<hbm>>
      %dma_start3A_127 = arith.constant 0 : i32
      %dma_start3A_128 = tpu.memref_slice %arg4[%add3A_102, %dma_start3A_127, %mul3A_2] : memref<200x64x4096xf32, #tpu.memory_space<hbm>> -> memref<1x64x128xf32, #tpu.memory_space<hbm>>
      %dma_start3A_129 = tpu.memref_squeeze %dma_start3A_128 : memref<1x64x128xf32, #tpu.memory_space<hbm>> -> memref<64x128xf32, #tpu.memory_space<hbm>>
      tpu.enqueue_dma source(%arg10 : memref<64x128xf32, #tpu.memory_space<vmem>>) target(%dma_start3A_129 : memref<64x128xf32, #tpu.memory_space<hbm>>) target_semaphore(%arg16 : memref<!tpu.dma_semaphore, #tpu.memory_space<semaphore_mem>>)
      %mul3A_130 = arith.constant 4 : i32
      %mul3A_131 = arith.muli %scan3A_41, %mul3A_130 : i32
      %add3A_132 = arith.constant 3 : i32
      %add3A_133 = arith.addi %mul3A_131, %add3A_132 : i32
      %add3A_134 = arith.constant 3 : i32
      %add3A_135 = arith.addi %add3A_133, %add3A_134 : i32
      %lt3A_136 = arith.constant 200 : i32
      %lt3A_137 = arith.cmpi slt, %add3A_135, %lt3A_136 : i32
      %convert_element_type3A_138 = arith.extui %lt3A_137 : i1 to i32
      %cond3A_139 = arith.constant 0 : i32
      %cond3A_140 = arith.cmpi ne, %convert_element_type3A_138, %cond3A_139 : i32
      scf.if %cond3A_140 {
        %dma_start3A_161 = arith.constant 0 : i32
        %dma_start3A_162 = tpu.memref_slice %arg5[%add3A_135, %dma_start3A_161] : memref<200x128xi32, #tpu.memory_space<vmem>> -> memref<1x128xi32, #tpu.memory_space<vmem>>
        %dma_start3A_163 = tpu.memref_squeeze %dma_start3A_162 : memref<1x128xi32, #tpu.memory_space<vmem>> -> memref<128xi32, #tpu.memory_space<vmem>>
        %dma_start3A_164 = arith.constant 0 : i32
        %dma_start3A_165 = arith.constant 0 : i32
        %dma_start3A_166 = tpu.memref_slice %arg3[%dma_start3A_164, %dma_start3A_165] : memref<1000000x128xf32, #tpu.memory_space<hbm>> -> memref<1000000x128xf32, #tpu.memory_space<hbm>>
        tpu.enqueue_indirect_dma source(%dma_start3A_166 : memref<1000000x128xf32, #tpu.memory_space<hbm>>) target(%arg8 : memref<128x128xf32, #tpu.memory_space<vmem>>) offsets(%dma_start3A_163 : memref<128xi32, #tpu.memory_space<vmem>>) semaphore(%arg14 : memref<!tpu.dma_semaphore, #tpu.memory_space<semaphore_mem>>)
      } else {
      }
      %dma_wait3A_141 = arith.constant 0 : i32
      %dma_wait3A_142 = tpu.memref_slice %arg5[%add3A_133, %dma_wait3A_141] : memref<200x128xi32, #tpu.memory_space<vmem>> -> memref<1x128xi32, #tpu.memory_space<vmem>>
      %dma_wait3A_143 = tpu.memref_squeeze %dma_wait3A_142 : memref<1x128xi32, #tpu.memory_space<vmem>> -> memref<128xi32, #tpu.memory_space<vmem>>
      %dma_wait3A_144 = arith.constant 0 : i32
      %dma_wait3A_145 = arith.constant 0 : i32
      %dma_wait3A_146 = tpu.memref_slice %arg3[%dma_wait3A_144, %dma_wait3A_145] : memref<1000000x128xf32, #tpu.memory_space<hbm>> -> memref<1000000x128xf32, #tpu.memory_space<hbm>>
      tpu.wait_indirect_dma semaphore(%arg15 : memref<!tpu.dma_semaphore, #tpu.memory_space<semaphore_mem>>) src(%dma_wait3A_146 : memref<1000000x128xf32, #tpu.memory_space<hbm>>) dst(%arg9 : memref<128x128xf32, #tpu.memory_space<vmem>>)
      %ge3A_147 = arith.constant 2 : i32
      %ge3A_148 = arith.cmpi sge, %add3A_133, %ge3A_147 : i32
      %convert_element_type3A_149 = arith.extui %ge3A_148 : i1 to i32
      %cond3A_150 = arith.constant 0 : i32
      %cond3A_151 = arith.cmpi ne, %convert_element_type3A_149, %cond3A_150 : i32
      scf.if %cond3A_151 {
        %sub3A = arith.constant 2 : i32
        %sub3A_161 = arith.subi %add3A_133, %sub3A : i32
        %dma_wait3A_162 = arith.constant 0 : i32
        %dma_wait3A_163 = tpu.memref_slice %arg4[%sub3A_161, %dma_wait3A_162, %mul3A_2] : memref<200x64x4096xf32, #tpu.memory_space<hbm>> -> memref<1x64x128xf32, #tpu.memory_space<hbm>>
        %dma_wait3A_164 = tpu.memref_squeeze %dma_wait3A_163 : memref<1x64x128xf32, #tpu.memory_space<hbm>> -> memref<64x128xf32, #tpu.memory_space<hbm>>
        %dma_wait3A_165 = arith.constant 0 : i32
        %dma_wait3A_166 = tpu.memref_slice %arg4[%sub3A_161, %dma_wait3A_165, %mul3A_2] : memref<200x64x4096xf32, #tpu.memory_space<hbm>> -> memref<1x64x128xf32, #tpu.memory_space<hbm>>
        %dma_wait3A_167 = tpu.memref_squeeze %dma_wait3A_166 : memref<1x64x128xf32, #tpu.memory_space<hbm>> -> memref<64x128xf32, #tpu.memory_space<hbm>>
        tpu.wait_dma2 semaphore(%arg17 : memref<!tpu.dma_semaphore, #tpu.memory_space<semaphore_mem>>) src(%arg11 : memref<64x128xf32, #tpu.memory_space<vmem>>) dst(%dma_wait3A_167 : memref<64x128xf32, #tpu.memory_space<hbm>>)
      } else {
      }
      %parallel_loop3A_152 = arith.constant 0 : i32
      %parallel_loop3A_153 = arith.constant 64 : i32
      %parallel_loop3A_154 = arith.constant 1 : i32
      scf.for %parallel_loop3A_161 = %parallel_loop3A_152 to %parallel_loop3A_153 step %parallel_loop3A_154  : i32 {
        %parallel_loop3A_162 = arith.constant 0 : i32
        %parallel_loop3A_163 = vector.broadcast %parallel_loop3A_162 : i32 to vector<16xi32>
        %parallel_loop3A_164 = vector.broadcast %parallel_loop3A_161 : i32 to vector<16xi32>
        %parallel_loop3A_165 = arith.addi %parallel_loop3A_163, %parallel_loop3A_164 : vector<16xi32>
        %parallel_loop3A_166 = tpu.iota {dimensions = array<i32: 0>} : vector<16xi32>
        %parallel_loop3A_167 = arith.constant 0 : i32
        %parallel_loop3A_168 = vector.broadcast %parallel_loop3A_167 : i32 to vector<16xi32>
        %parallel_loop3A_169 = arith.addi %parallel_loop3A_166, %parallel_loop3A_168 : vector<16xi32>
        %parallel_loop3A_170 = tpu.vector_load_idx %arg9[%parallel_loop3A_169, %parallel_loop3A_165] : memref<128x128xf32, #tpu.memory_space<vmem>>[vector<16xi32>, vector<16xi32>], vector<16xf32>,
        %parallel_loop3A_171 = arith.constant 8.000000e+00 : f32
        %parallel_loop3A_172 = vector.broadcast %parallel_loop3A_171 : f32 to vector<16xf32>
        %parallel_loop3A_173 = arith.mulf %parallel_loop3A_170, %parallel_loop3A_172 : vector<16xf32>
        %parallel_loop3A_174 = arith.index_cast %parallel_loop3A_161 : i32 to index
        %parallel_loop3A_175 = arith.constant 0 : index
        %parallel_loop3A_176 = tpu.vector_load %arg11[%parallel_loop3A_174, %parallel_loop3A_175] {strides = array<i32>} : memref<64x128xf32, #tpu.memory_space<vmem>>, vector<16xf32>,
        tpu.vector_store %arg11[%parallel_loop3A_174, %parallel_loop3A_175], %parallel_loop3A_173 {strides = array<i32>} : memref<64x128xf32, #tpu.memory_space<vmem>>, vector<16xf32>,
        %parallel_loop3A_177 = tpu.iota {dimensions = array<i32: 0>} : vector<16xi32>
        %parallel_loop3A_178 = arith.constant 16 : i32
        %parallel_loop3A_179 = vector.broadcast %parallel_loop3A_178 : i32 to vector<16xi32>
        %parallel_loop3A_180 = arith.addi %parallel_loop3A_177, %parallel_loop3A_179 : vector<16xi32>
        %parallel_loop3A_181 = tpu.vector_load_idx %arg9[%parallel_loop3A_180, %parallel_loop3A_165] : memref<128x128xf32, #tpu.memory_space<vmem>>[vector<16xi32>, vector<16xi32>], vector<16xf32>,
        %parallel_loop3A_182 = arith.constant 8.000000e+00 : f32
        %parallel_loop3A_183 = vector.broadcast %parallel_loop3A_182 : f32 to vector<16xf32>
        %parallel_loop3A_184 = arith.mulf %parallel_loop3A_181, %parallel_loop3A_183 : vector<16xf32>
        %parallel_loop3A_185 = arith.index_cast %parallel_loop3A_161 : i32 to index
        %parallel_loop3A_186 = arith.constant 16 : index
        %parallel_loop3A_187 = tpu.vector_load %arg11[%parallel_loop3A_185, %parallel_loop3A_186] {strides = array<i32>} : memref<64x128xf32, #tpu.memory_space<vmem>>, vector<16xf32>,
        tpu.vector_store %arg11[%parallel_loop3A_185, %parallel_loop3A_186], %parallel_loop3A_184 {strides = array<i32>} : memref<64x128xf32, #tpu.memory_space<vmem>>, vector<16xf32>,
        %parallel_loop3A_188 = tpu.iota {dimensions = array<i32: 0>} : vector<16xi32>
        %parallel_loop3A_189 = arith.constant 32 : i32
        %parallel_loop3A_190 = vector.broadcast %parallel_loop3A_189 : i32 to vector<16xi32>
        %parallel_loop3A_191 = arith.addi %parallel_loop3A_188, %parallel_loop3A_190 : vector<16xi32>
        %parallel_loop3A_192 = tpu.vector_load_idx %arg9[%parallel_loop3A_191, %parallel_loop3A_165] : memref<128x128xf32, #tpu.memory_space<vmem>>[vector<16xi32>, vector<16xi32>], vector<16xf32>,
        %parallel_loop3A_193 = arith.constant 8.000000e+00 : f32
        %parallel_loop3A_194 = vector.broadcast %parallel_loop3A_193 : f32 to vector<16xf32>
        %parallel_loop3A_195 = arith.mulf %parallel_loop3A_192, %parallel_loop3A_194 : vector<16xf32>
        %parallel_loop3A_196 = arith.index_cast %parallel_loop3A_161 : i32 to index
        %parallel_loop3A_197 = arith.constant 32 : index
        %parallel_loop3A_198 = tpu.vector_load %arg11[%parallel_loop3A_196, %parallel_loop3A_197] {strides = array<i32>} : memref<64x128xf32, #tpu.memory_space<vmem>>, vector<16xf32>,
        tpu.vector_store %arg11[%parallel_loop3A_196, %parallel_loop3A_197], %parallel_loop3A_195 {strides = array<i32>} : memref<64x128xf32, #tpu.memory_space<vmem>>, vector<16xf32>,
        %parallel_loop3A_199 = tpu.iota {dimensions = array<i32: 0>} : vector<16xi32>
        %parallel_loop3A_200 = arith.constant 48 : i32
        %parallel_loop3A_201 = vector.broadcast %parallel_loop3A_200 : i32 to vector<16xi32>
        %parallel_loop3A_202 = arith.addi %parallel_loop3A_199, %parallel_loop3A_201 : vector<16xi32>
        %parallel_loop3A_203 = tpu.vector_load_idx %arg9[%parallel_loop3A_202, %parallel_loop3A_165] : memref<128x128xf32, #tpu.memory_space<vmem>>[vector<16xi32>, vector<16xi32>], vector<16xf32>,
        %parallel_loop3A_204 = arith.constant 8.000000e+00 : f32
        %parallel_loop3A_205 = vector.broadcast %parallel_loop3A_204 : f32 to vector<16xf32>
        %parallel_loop3A_206 = arith.mulf %parallel_loop3A_203, %parallel_loop3A_205 : vector<16xf32>
        %parallel_loop3A_207 = arith.index_cast %parallel_loop3A_161 : i32 to index
        %parallel_loop3A_208 = arith.constant 48 : index
        %parallel_loop3A_209 = tpu.vector_load %arg11[%parallel_loop3A_207, %parallel_loop3A_208] {strides = array<i32>} : memref<64x128xf32, #tpu.memory_space<vmem>>, vector<16xf32>,
        tpu.vector_store %arg11[%parallel_loop3A_207, %parallel_loop3A_208], %parallel_loop3A_206 {strides = array<i32>} : memref<64x128xf32, #tpu.memory_space<vmem>>, vector<16xf32>,
        %parallel_loop3A_210 = tpu.iota {dimensions = array<i32: 0>} : vector<16xi32>
        %parallel_loop3A_211 = arith.constant 64 : i32
        %parallel_loop3A_212 = vector.broadcast %parallel_loop3A_211 : i32 to vector<16xi32>
        %parallel_loop3A_213 = arith.addi %parallel_loop3A_210, %parallel_loop3A_212 : vector<16xi32>
        %parallel_loop3A_214 = tpu.vector_load_idx %arg9[%parallel_loop3A_213, %parallel_loop3A_165] : memref<128x128xf32, #tpu.memory_space<vmem>>[vector<16xi32>, vector<16xi32>], vector<16xf32>,
        %parallel_loop3A_215 = arith.constant 8.000000e+00 : f32
        %parallel_loop3A_216 = vector.broadcast %parallel_loop3A_215 : f32 to vector<16xf32>
        %parallel_loop3A_217 = arith.mulf %parallel_loop3A_214, %parallel_loop3A_216 : vector<16xf32>
        %parallel_loop3A_218 = arith.index_cast %parallel_loop3A_161 : i32 to index
        %parallel_loop3A_219 = arith.constant 64 : index
        %parallel_loop3A_220 = tpu.vector_load %arg11[%parallel_loop3A_218, %parallel_loop3A_219] {strides = array<i32>} : memref<64x128xf32, #tpu.memory_space<vmem>>, vector<16xf32>,
        tpu.vector_store %arg11[%parallel_loop3A_218, %parallel_loop3A_219], %parallel_loop3A_217 {strides = array<i32>} : memref<64x128xf32, #tpu.memory_space<vmem>>, vector<16xf32>,
        %parallel_loop3A_221 = tpu.iota {dimensions = array<i32: 0>} : vector<16xi32>
        %parallel_loop3A_222 = arith.constant 80 : i32
        %parallel_loop3A_223 = vector.broadcast %parallel_loop3A_222 : i32 to vector<16xi32>
        %parallel_loop3A_224 = arith.addi %parallel_loop3A_221, %parallel_loop3A_223 : vector<16xi32>
        %parallel_loop3A_225 = tpu.vector_load_idx %arg9[%parallel_loop3A_224, %parallel_loop3A_165] : memref<128x128xf32, #tpu.memory_space<vmem>>[vector<16xi32>, vector<16xi32>], vector<16xf32>,
        %parallel_loop3A_226 = arith.constant 8.000000e+00 : f32
        %parallel_loop3A_227 = vector.broadcast %parallel_loop3A_226 : f32 to vector<16xf32>
        %parallel_loop3A_228 = arith.mulf %parallel_loop3A_225, %parallel_loop3A_227 : vector<16xf32>
        %parallel_loop3A_229 = arith.index_cast %parallel_loop3A_161 : i32 to index
        %parallel_loop3A_230 = arith.constant 80 : index
        %parallel_loop3A_231 = tpu.vector_load %arg11[%parallel_loop3A_229, %parallel_loop3A_230] {strides = array<i32>} : memref<64x128xf32, #tpu.memory_space<vmem>>, vector<16xf32>,
        tpu.vector_store %arg11[%parallel_loop3A_229, %parallel_loop3A_230], %parallel_loop3A_228 {strides = array<i32>} : memref<64x128xf32, #tpu.memory_space<vmem>>, vector<16xf32>,
        %parallel_loop3A_232 = tpu.iota {dimensions = array<i32: 0>} : vector<16xi32>
        %parallel_loop3A_233 = arith.constant 96 : i32
        %parallel_loop3A_234 = vector.broadcast %parallel_loop3A_233 : i32 to vector<16xi32>
        %parallel_loop3A_235 = arith.addi %parallel_loop3A_232, %parallel_loop3A_234 : vector<16xi32>
        %parallel_loop3A_236 = tpu.vector_load_idx %arg9[%parallel_loop3A_235, %parallel_loop3A_165] : memref<128x128xf32, #tpu.memory_space<vmem>>[vector<16xi32>, vector<16xi32>], vector<16xf32>,
        %parallel_loop3A_237 = arith.constant 8.000000e+00 : f32
        %parallel_loop3A_238 = vector.broadcast %parallel_loop3A_237 : f32 to vector<16xf32>
        %parallel_loop3A_239 = arith.mulf %parallel_loop3A_236, %parallel_loop3A_238 : vector<16xf32>
        %parallel_loop3A_240 = arith.index_cast %parallel_loop3A_161 : i32 to index
        %parallel_loop3A_241 = arith.constant 96 : index
        %parallel_loop3A_242 = tpu.vector_load %arg11[%parallel_loop3A_240, %parallel_loop3A_241] {strides = array<i32>} : memref<64x128xf32, #tpu.memory_space<vmem>>, vector<16xf32>,
        tpu.vector_store %arg11[%parallel_loop3A_240, %parallel_loop3A_241], %parallel_loop3A_239 {strides = array<i32>} : memref<64x128xf32, #tpu.memory_space<vmem>>, vector<16xf32>,
        %parallel_loop3A_243 = tpu.iota {dimensions = array<i32: 0>} : vector<16xi32>
        %parallel_loop3A_244 = arith.constant 112 : i32
        %parallel_loop3A_245 = vector.broadcast %parallel_loop3A_244 : i32 to vector<16xi32>
        %parallel_loop3A_246 = arith.addi %parallel_loop3A_243, %parallel_loop3A_245 : vector<16xi32>
        %parallel_loop3A_247 = tpu.vector_load_idx %arg9[%parallel_loop3A_246, %parallel_loop3A_165] : memref<128x128xf32, #tpu.memory_space<vmem>>[vector<16xi32>, vector<16xi32>], vector<16xf32>,
        %parallel_loop3A_248 = arith.constant 8.000000e+00 : f32
        %parallel_loop3A_249 = vector.broadcast %parallel_loop3A_248 : f32 to vector<16xf32>
        %parallel_loop3A_250 = arith.mulf %parallel_loop3A_247, %parallel_loop3A_249 : vector<16xf32>
        %parallel_loop3A_251 = arith.index_cast %parallel_loop3A_161 : i32 to index
        %parallel_loop3A_252 = arith.constant 112 : index
        %parallel_loop3A_253 = tpu.vector_load %arg11[%parallel_loop3A_251, %parallel_loop3A_252] {strides = array<i32>} : memref<64x128xf32, #tpu.memory_space<vmem>>, vector<16xf32>,
        tpu.vector_store %arg11[%parallel_loop3A_251, %parallel_loop3A_252], %parallel_loop3A_250 {strides = array<i32>} : memref<64x128xf32, #tpu.memory_space<vmem>>, vector<16xf32>,
      } {sc.loop_unroll_factor = 2 : i64, sc.parallel_access}
      %dma_start3A_155 = arith.constant 0 : i32
      %dma_start3A_156 = tpu.memref_slice %arg4[%add3A_133, %dma_start3A_155, %mul3A_2] : memref<200x64x4096xf32, #tpu.memory_space<hbm>> -> memref<1x64x128xf32, #tpu.memory_space<hbm>>
      %dma_start3A_157 = tpu.memref_squeeze %dma_start3A_156 : memref<1x64x128xf32, #tpu.memory_space<hbm>> -> memref<64x128xf32, #tpu.memory_space<hbm>>
      %dma_start3A_158 = arith.constant 0 : i32
      %dma_start3A_159 = tpu.memref_slice %arg4[%add3A_133, %dma_start3A_158, %mul3A_2] : memref<200x64x4096xf32, #tpu.memory_space<hbm>> -> memref<1x64x128xf32, #tpu.memory_space<hbm>>
      %dma_start3A_160 = tpu.memref_squeeze %dma_start3A_159 : memref<1x64x128xf32, #tpu.memory_space<hbm>> -> memref<64x128xf32, #tpu.memory_space<hbm>>
      tpu.enqueue_dma source(%arg11 : memref<64x128xf32, #tpu.memory_space<vmem>>) target(%dma_start3A_160 : memref<64x128xf32, #tpu.memory_space<hbm>>) target_semaphore(%arg17 : memref<!tpu.dma_semaphore, #tpu.memory_space<semaphore_mem>>)
    }
    %scan3A_27 = arith.constant 50 : i32
    %dma_wait3A = arith.constant 198 : i32
    %dma_wait3A_28 = arith.constant 0 : i32
    %dma_wait3A_29 = tpu.memref_slice %arg4[%dma_wait3A, %dma_wait3A_28, %mul3A_2] : memref<200x64x4096xf32, #tpu.memory_space<hbm>> -> memref<1x64x128xf32, #tpu.memory_space<hbm>>
    %dma_wait3A_30 = tpu.memref_squeeze %dma_wait3A_29 : memref<1x64x128xf32, #tpu.memory_space<hbm>> -> memref<64x128xf32, #tpu.memory_space<hbm>>
    %dma_wait3A_31 = arith.constant 0 : i32
    %dma_wait3A_32 = tpu.memref_slice %arg4[%dma_wait3A, %dma_wait3A_31, %mul3A_2] : memref<200x64x4096xf32, #tpu.memory_space<hbm>> -> memref<1x64x128xf32, #tpu.memory_space<hbm>>
    %dma_wait3A_33 = tpu.memref_squeeze %dma_wait3A_32 : memref<1x64x128xf32, #tpu.memory_space<hbm>> -> memref<64x128xf32, #tpu.memory_space<hbm>>
    tpu.wait_dma2 semaphore(%arg16 : memref<!tpu.dma_semaphore, #tpu.memory_space<semaphore_mem>>) src(%arg10 : memref<64x128xf32, #tpu.memory_space<vmem>>) dst(%dma_wait3A_33 : memref<64x128xf32, #tpu.memory_space<hbm>>)
    %dma_wait3A_34 = arith.constant 199 : i32
    %dma_wait3A_35 = arith.constant 0 : i32
    %dma_wait3A_36 = tpu.memref_slice %arg4[%dma_wait3A_34, %dma_wait3A_35, %mul3A_2] : memref<200x64x4096xf32, #tpu.memory_space<hbm>> -> memref<1x64x128xf32, #tpu.memory_space<hbm>>
    %dma_wait3A_37 = tpu.memref_squeeze %dma_wait3A_36 : memref<1x64x128xf32, #tpu.memory_space<hbm>> -> memref<64x128xf32, #tpu.memory_space<hbm>>
    %dma_wait3A_38 = arith.constant 0 : i32
    %dma_wait3A_39 = tpu.memref_slice %arg4[%dma_wait3A_34, %dma_wait3A_38, %mul3A_2] : memref<200x64x4096xf32, #tpu.memory_space<hbm>> -> memref<1x64x128xf32, #tpu.memory_space<hbm>>
    %dma_wait3A_40 = tpu.memref_squeeze %dma_wait3A_39 : memref<1x64x128xf32, #tpu.memory_space<hbm>> -> memref<64x128xf32, #tpu.memory_space<hbm>>
    tpu.wait_dma2 semaphore(%arg17 : memref<!tpu.dma_semaphore, #tpu.memory_space<semaphore_mem>>) src(%arg11 : memref<64x128xf32, #tpu.memory_space<vmem>>) dst(%dma_wait3A_40 : memref<64x128xf32, #tpu.memory_space<hbm>>)
    return
  }
}

</mosaic_0001>

<sc_bundles>
// kernel: _run.3.cloned.1.call-start
scs
__scs_entry_jumppad:
0x0: {  	(pc) =	sbr.rel $0x88, $3  }
0x1: {  	(tag) =	ssettag $0x0;
	lr =	simm.s32 $0x1  }
0x2: {  	[smem:$0x3F9F] =	sst lr;
	_ =	strace $0xD0000000  }
0x3: {  	_ = 	snop  }
0x4: {  	_ = 	snop  }
0x5: {  	_ = 	snop  }
0x6: {  	_ = 	snop  }
0x7: {  	_ = 	snop  }
__scs_overlays_trampoline_lowered:
0x8: {  	[smem:$0x3FAE] =	sst s0  }
0x9: {  	[smem:$0x3FAF] =	sst s1  }
0xa: {  	[smem:$0x3FB0] =	sst s2  }
0xb: {  	[smem:$0x3FB1] =	sst s3  }
0xc: {  	[smem:$0x3FB2] =	sst s4  }
0xd: {  	[smem:$0x3FB3] =	sst s5  }
0xe: {  	[smem:$0x3FB4] =	sst s6  }
0xf: {  	[smem:$0x3FB5] =	sst s7  }
0x10: {  	[smem:$0x3FB6] =	sst s8  }
0x11: {  	[smem:$0x3FB7] =	sst s9;
	s0 =	simm.s32 @!p0 $0x0  }
0x12: {  	s1 =	sld [smem:$0x3F9D];
	s0 =	simm.s32 @p0 $0x1  }
0x13: {  	[smem:$0x3FB8] =	sst s0;
	s0 =	simm.s32 @!p1 $0x0  }
0x14: {  	s2 =	sld [smem:$0x3F9C];
	s0 =	simm.s32 @p1 $0x1  }
0x15: {  	[smem:$0x3FB9] =	sst s0;
	s0 =	simm.s32 @!p2 $0x0  }
0x16: {  	s3 =	sld [smem:$0x3FDB];
	s0 =	simm.s32 @p2 $0x1  }
0x17: {  	s4 =	simm.s32 $0x1BF5;
	[smem:$0x3FBB] =	sst s0  }
0x18: {  	s0 =	sld [smem:$0x3F9E];
	_ =	swait.ge [sflag:s4], $0x0  }
0x19: {  	s7 =	sld [smem:$0x3F9F]  }
0x1a: {  	s8 =	sadd.s32 $0xFFFFE003, lr  }
0x1b: {  	s9 =	sadd.s32 $0xFFFFFEF7, lr;
	s5 =	simm.s32 $0xFFFFFFFF;
	p2 =	slt.u32 s8, $0xFFFFF086  }
0x1c: {  	p1 =	slt.u32 s9, $0xF7A;
	s5 =	simm.s32 @!p2 $0x0  }
0x1d: {  	s5 =	simm.s32 @p1 $0x1;
	p0 =	seq.s32 s7, s2  }
0x1e: {  	s7 =	smul.u32 @!p0 $0xF7A, s2;
	p2 =	seq.s32 @!p0 s5, $0x0  }
0x1f: {  	s9 =	smul.u32 $0xF7A, s1;
	s8 =	simm.s32 @!p0 $0x1BF5;
	p2 =	por !p2, p0  }
0x20: {  	[sflag:s8] =	ssyncset.s32 @!p0 $0xFFFFF086;
	s6 =	sadd.s32 @!p0 s3, s7;
	s7 =	simm.s32 @!p0 $0x108  }
0x21: {  	s3 =	sadd.s32 s3, s9;
	s6 =	sadd.s32 @!p0 $0x88, s6;
	s7 =	simm.s32 @p2 $0x1082  }
0x22: {  	[simem:s7], [sflag:s8] =	dma.local @!p0 [hbm:s6], $0xF7A  }
0x23: {  	s9 =	sor.u32 $0xD0000000, s2;
	s6 =	simm.s32 $0x108;
	_ =	swait.ge @!p0 [sflag:s8], $0x0  }
0x24: {  	s3 =	sadd.s32 $0x88, s3;
	s6 =	simm.s32 @!p1 $0x1082;
	[sflag:s4] =	ssyncset.s32 $0xFFFFF086  }
0x25: {  	[simem:s6], [sflag:s4] =	dma.local [hbm:s3], $0xF7A  }
0x26: {  	[smem:$0x3F9F] =	sst s1;
	(tag) =	ssettag s2;
	_ =	strace s9  }
0x27: {  	s1 =	sld [smem:$0x3FAF]  }
0x28: {  	s2 =	sld [smem:$0x3FB0]  }
0x29: {  	s4 =	sld [smem:$0x3FB2]  }
0x2a: {  	p0 =	seq.s32 s5, $0x0;
	s5 =	sld [smem:$0x3FB3]  }
0x2b: {  	s6 =	sld [smem:$0x3FB4]  }
0x2c: {  	s7 =	sld [smem:$0x3FB5]  }
0x2d: {  	s3 =	simm.s32 $0x108;
	s8 =	sld [smem:$0x3FB6]  }
0x2e: {  	s3 =	simm.s32 @!p0 $0x1082;
	s9 =	sld [smem:$0x3FB7]  }
0x2f: {  	lr =	sadd.s32 s0, s3;
	s0 =	sld [smem:$0x3FAE]  }
0x30: {  	s3 =	sld [smem:$0x3FB1]  }
0x31: {  	[smem:$0x3FBA] =	sst s10  }
0x32: {  	s10 =	sld [smem:$0x3FB8];
	_ =	sdelay $0x3  }
0x33: {  	p0 =	seq.s32 s10, $0x1;
	s10 =	sld [smem:$0x3FBA];
	_ =	sdelay $0x3  }
0x34: {  	[smem:$0x3FBA] =	sst s10  }
0x35: {  	s10 =	sld [smem:$0x3FB9];
	_ =	sdelay $0x3  }
0x36: {  	p1 =	seq.s32 s10, $0x1;
	s10 =	sld [smem:$0x3FBA];
	_ =	sdelay $0x3  }
0x37: {  	[smem:$0x3FBA] =	sst s10  }
0x38: {  	s10 =	sld [smem:$0x3FBB]  }
0x39: {  	_ = 	snop;
	(pc) =	sbr.ind lr, $3  }
0x3a: {  	_ = 	snop  }
0x3b: {  	_ = 	snop  }
0x3c: {  	p2 =	seq.s32 s10, $0x1;
	s10 =	sld [smem:$0x3FBA]  }
0x3d: {  	_ =	shalt  }
0x3e: {  	_ =	shalt  }
0x3f: {  	_ =	shalt  }
0x40: {  	_ =	shalt  }
0x41: {  	_ =	shalt  }
0x42: {  	_ =	shalt  }
0x43: {  	_ =	shalt  }
0x44: {  	_ =	shalt  }
0x45: {  	_ =	shalt  }
0x46: {  	_ =	shalt  }
0x47: {  	_ =	shalt  }
0x48: {  	_ =	shalt  }
0x49: {  	_ =	shalt  }
0x4a: {  	_ =	shalt  }
0x4b: {  	_ =	shalt  }
0x4c: {  	_ =	shalt  }
0x4d: {  	_ =	shalt  }
0x4e: {  	_ =	shalt  }
0x4f: {  	_ =	shalt  }
0x50: {  	_ =	shalt  }
0x51: {  	_ =	shalt  }
0x52: {  	_ =	shalt  }
0x53: {  	_ =	shalt  }
0x54: {  	_ =	shalt  }
0x55: {  	_ =	shalt  }
0x56: {  	_ =	shalt  }
0x57: {  	_ =	shalt  }
0x58: {  	_ =	shalt  }
0x59: {  	_ =	shalt  }
0x5a: {  	_ =	shalt  }
0x5b: {  	_ =	shalt  }
0x5c: {  	_ =	shalt  }
0x5d: {  	_ =	shalt  }
0x5e: {  	_ =	shalt  }
0x5f: {  	_ =	shalt  }
0x60: {  	_ =	shalt  }
0x61: {  	_ =	shalt  }
0x62: {  	_ =	shalt  }
0x63: {  	_ =	shalt  }
0x64: {  	_ =	shalt  }
0x65: {  	_ =	shalt  }
0x66: {  	_ =	shalt  }
0x67: {  	_ =	shalt  }
0x68: {  	_ =	shalt  }
0x69: {  	_ =	shalt  }
0x6a: {  	_ =	shalt  }
0x6b: {  	_ =	shalt  }
0x6c: {  	_ =	shalt  }
0x6d: {  	_ =	shalt  }
0x6e: {  	_ =	shalt  }
0x6f: {  	_ =	shalt  }
0x70: {  	_ =	shalt  }
0x71: {  	_ =	shalt  }
0x72: {  	_ =	shalt  }
0x73: {  	_ =	shalt  }
0x74: {  	_ =	shalt  }
0x75: {  	_ =	shalt  }
0x76: {  	_ =	shalt  }
0x77: {  	_ =	shalt  }
0x78: {  	_ =	shalt  }
0x79: {  	_ =	shalt  }
0x7a: {  	_ =	shalt  }
0x7b: {  	_ =	shalt  }
0x7c: {  	_ =	shalt  }
0x7d: {  	_ =	shalt  }
0x7e: {  	_ =	shalt  }
0x7f: {  	_ =	shalt  }
0x80: {  	_ =	shalt  }
0x81: {  	_ =	shalt  }
0x82: {  	_ =	shalt  }
0x83: {  	_ =	shalt  }
0x84: {  	_ =	shalt  }
0x85: {  	_ =	shalt  }
0x86: {  	_ =	shalt  }
0x87: {  	_ =	shalt  }
.Lfunc_end0:
.L_simem_size_0:
called_computation_lowered:
.L_overlay_start_0:
0x88: {  	s2 =	sld [smem:$0x3FD9]  }
0x89: {  	s3 =	sld [smem:$0x3FFE];
	_ =	sdelay $0x1  }
0x8a: {  	s1 =	srdreg.scid  }
0x8b: {  	s0 =	sand.u32 $0x1, s1  }
0x8c: {  	s18 =	sshll.u32 s0, $0xA;
	s2 =	sadd.s32 s3, s2  }
0x8d: {  	s2 =	sadd.s32 s2, s18  }
0x8e: {  	[smem:$0x3FC6] =	sst s2  }
0x8f: {  	_ = 	snop  }
0x90: {  	s2 =	sld [smem:$0x3FC9]  }
0x91: {  	s19 =	sld [smem:$0x3FC8]  }
0x92: {  	s4 =	sld [smem:$0x3FD0];
	(tm) =	ssettm $0x1  }
0x93: {  	s5 =	sld [smem:$0x3FFB];
	_ =	sdelay $0x3  }
0x94: {  	_ =	strace s5  }
0x95: {  	s5 =	sld [smem:$0x3FFC];
	_ =	sdelay $0x3  }
0x96: {  	_ =	strace s5  }
0x97: {  	s5 =	sld [smem:$0x3FFD];
	_ =	sdelay $0x3  }
0x98: {  	_ =	strace s5  }
0x99: {  	_ =	strace $0x8FFFFFFF  }
0x9a: {  	s20 =	sld [smem:$0x3FDB];
	_ =	sdelay $0x1  }
0x9b: {  	s6 =	simm.s32 $_scs_section_size  }
0x9c: {  	s7 =	simm.s32 $_size__tile_overlayer_lowered;
	s8 =	simm.s32 $_tile_overlayer_lowered  }
0x9d: {  	s23 =	simm.s32 $0x1BFF;
	s22 =	sshll.u32 s8, $0x1;
	s5 =	sadd.s32 s6, s20  }
0x9e: {  	s9 =	simm.s32 $0x0;
	s21 =	sshll.u32 s7, $0x1;
	s7 =	sadd.s32 s22, s5  }
0x9f: {  	[timem:s9], [sflag:s23] =	dma.local [hbm:s7], s21  }
0xa0: {  	_ =	swait.ge [sflag:s23], s21  }
0xa1: {  	s6 =	ssub.s32 $0x0, s21;
	[sflag:s23] =	ssyncset.done $0x0  }
0xa2: {  	[sflag:s23] =	ssyncadd.s32 s6;
	_ =	sdelay $0x1  }
0xa3: {  	s24 =	simm.s32 $0x1B8B  }
0xa4: {  	_ =	swait.ge [sflag:s24], $0x1  }
0xa5: {  	[sflag:s24] =	ssyncset.done $0x0  }
0xa6: {  	s25 =	simm.s32 $0x1B8E;
	[sflag:s24] =	ssyncadd.s32 $0xFFFFFFFF  }
0xa7: {  	s26 =	simm.s32 $execute0_lowered;
	[smem:$0x3FD2] =	sst s25  }
0xa8: {  	s6 =	sshll.u32 s26, $0x1;
	_ =	strace $0x80000046;
	[dreg:$0x1] =	wrdreg $0xFFFFFFFF  }
0xa9: {  	s28 =	simm.s32 $_size_execute0_lowered;
	s5 =	sadd.s32 s5, s6;
	[dreg:$0x0] =	wrdreg $0x0  }
0xaa: {  	s6 =	sshll.u32 s28, $0x1;
	[dreg:$0x2] =	wrdreg s5  }
0xab: {  	[dreg:$0x3] =	wrdreg s6  }
0xac: {  	[dreg:$0x4] =	wrdreg $0xC0  }
0xad: {  	_ =	task [dreg:s9], $0x5FFFF  }
0xae: {  	[dreg:$0x1] =	wrdreg $0xFFFFFFFF  }
0xaf: {  	[dreg:$0x0] =	wrdreg $0x60  }
0xb0: {  	[dreg:$0x2] =	wrdreg s2  }
0xb1: {  	[dreg:$0x3] =	wrdreg s19  }
0xb2: {  	[dreg:$0x4] =	wrdreg s4  }
0xb3: {  	[dreg:$0x5] =	wrdreg $0x9  }
0xb4: {  	_ =	task.clear_ibuf [dreg:s9], $0x6FFFF;
	_ =	strace $0x90000046  }
0xb5: {  	s29 =	simm.s32 $0x9;
	_ =	strace $0x80000048  }
0xb6: {  	_ =	swait.ge [sflag:s29], $0x1  }
0xb7: {  	[sflag:s29] =	ssyncadd.s32 $0xFFFFFFFF  }
0xb8: {  	_ =	strace $0x90000048  }
0xb9: {  	_ =	sfence  }
0xba: {  	s30 =	sld [smem:$0x0];
	_ =	sdelay $0x2  }
0xbb: {  	s31 =	sshll.u32 s1, $0xD;
	s1 =	sshrl.u32 s1, $0x2  }
0xbc: {  	s3 =	sand.u32 $0x4000, s31;
	s1 =	sadd.s32 s1, s30  }
0xbd: {  	s0 =	sor.u32 s3, s0;
	s1 =	sshll.u32 s1, $0x11  }
0xbe: {  	s0 =	sor.u32 s1, s0  }
0xbf: {  	s0 =	sadd.s32 $0x8F2B, s0  }
0xc0: {  	[sflag:s0] =	ssyncadd.remote.s32 $0x1  }
0xc1: {  	_ =	sfence.sel $0xFFFF  }
0xc2: {  	[dreg:$0x0] =	wrdreg $0xFFFFFFFF;
	(pc) =	sbr.abs _section_cstart, $3  }
0xc3: {  	[dreg:$0x1] =	wrdreg $0xFFFFFFFF  }
0xc4: {  	_ =	task.clear_ibuf [dreg:s9], $0x2FFFF;
	_ =	strace $0x9FFFFFFF  }
0xc5: {  	(tm) =	ssettm $0x7FFFFFFF  }
tec
execute0_lowered:
.L_overlay_start_1:
0x0: {  	(tag) =	ssettag $0x1  }
0x1: {  	s0 =	rddreg [dreg:$0x0]  }
0x2: {  	s2 =	rddreg [dreg:$0x1];
	s1 =	srdreg.scid  }
0x3: {  	s3 =	rddreg [dreg:$0x2];
	s4 =	stileid.u32  }
0x4: {  	s6 =	simm.s32 $0x0;
	s10 =	simm.s32 $0x400;
	s11 =	simm.s32 $0x8000  }
0x5: {  	s13 =	simm.s32 $0x80;
	s14 =	simm.s32 $0x6400;
	s15 =	simm.s32 $0xA400  }
0x6: {  	s17 =	simm.s32 $0xE400;
	s18 =	simm.s32 $0x12400;
	s19 =	simm.s32 $0x1  }
0x7: {  	s20 =	simm.s32 $0x16400;
	s21 =	simm.s32 $0x2;
	s22 =	simm.s32 $0x6  }
0x8: {  	s23 =	simm.s32 $0x18400;
	s24 =	simm.s32 $0x3;
	s1 =	sand.u32 $0x1, s1  }
0x9: {  	v0 =	vlaneseq.u32;
	s25 =	simm.s32 $0x5;
	s4 =	sshll.u32 s4, $0xB;
	s5 =	sshll.u32 s1, $0xA  }
0xa: {  	s26 =	simm.s32 $0x4;
	v0 =	vmul.u32 $0x80, v0;
	s1 =	ssub.s32 $0x2, s1;
	s5 =	sor.u32 s5, s4  }
0xb: {  	[smem:$0x7FF] =	sst s6;
	s29 =	sshrl.u32 s1, $0x1;
	s30 =	sshrl.u32 s5, $0x3  }
0xc: {  	s7 =	sadd.s32 $0x8000, s3;
	v1 =	vor.u32 $0x800, v0;
	s1 =	ssub.s32 s1, s29;
	s0 =	sadd.s32 s0, s30  }
0xd: {  	_ =	strace $0x80000047;
	v2 =	vor.u32 $0x1000, v0;
	v3 =	vor.u32 $0x1800, v0;
	v4 =	vor.u32 $0x2000, v0;
	s31 =	smax.u32 s1, $0x1;
	[dreg:$0x4] =	wrdreg s0  }
0xe: {  	s8 =	sadd.s32 $0x10000, s3;
	v5 =	vor.u32 $0x2800, v0;
	v6 =	vor.u32 $0x3000, v0;
	v7 =	vor.u32 $0x3800, v0;
	s1 =	simm.s32 $0x0;
	[dreg:$0x5] =	wrdreg s31  }
.LBB2_1:
0xf: {  	[dreg:$0x6] =	wrdreg s1  }
0x10: {  	s0 =	simm.s32 $0x0;
	s28 =	rddreg [dreg:$0x4];
	s30 =	simm.s32 $0x7  }
0x11: {  	[tilespmem:s0], [sflag:$0x7] =	stream.strided.gather [hbm4b:s28+s10], $0x6400, s11, s10, $0x38;
	[tilespmem:$0x1A400] =	vst v63  }
0x12: {  	_ =	swait.ge [sflag:s30], $0x6400  }
0x13: {  	[sflag:s30] =	ssyncset.done $0x0  }
0x14: {  	[sflag:s30] =	ssyncadd.s32 $0xFFFF9C00  }
0x15: {  	[tilespmem:s14], [sflag:$0x1] =	stream.indirect.gather [hbm4b:s2+s13], $0x80, s0, s13, $0xb8;
	[tilespmem:$0x1A400] =	vst v63  }
0x16: {  	_ = 	snop  }
0x17: {  	[tilespmem:s15], [sflag:$0x2] =	stream.indirect.gather [hbm4b:s2+s13], $0x80, s13, s13, $0xb8;
	[tilespmem:$0x1A400] =	vst v63  }
0x18: {  	s31 =	simm.s32 $0x100;
	s29 =	simm.s32 $0x0  }
0x19: {  	[tilespmem:s17], [sflag:$0x3] =	stream.indirect.gather [hbm4b:s2+s13], $0x80, s31, s13, $0xb8;
	[tilespmem:$0x1A400] =	vst v63  }
.LBB2_2:
0x1a: {  	s30 =	sshllo.u32 s29, $0x2;
	s0 =	simm.s32 $0x1  }
0x1b: {  	s4 =	simm.s32 $0x0;
	s1 =	sshll.u32 s30, $0x7;
	v8 =	vmov s0  }
0x1c: {  	v9 =	vmov s4;
	s16 =	sand.u32 $0x3FFFFF80, s1;
	v8 =	vand.u32 $0x7F, v8  }
0x1d: {  	v9 =	vand.u32 $0x7E, v9;
	[tilespmem:s18], [sflag:$0x4] =	stream.indirect.gather [hbm4b:s2+s13], $0x80, s16, s13, $0xb8;
	v17 =	vbroadcast v8, $0x0;
	[tilespmem:$0x1A400] =	vst v63  }
0x1e: {  	v16 =	vbroadcast v9, $0x0;
	_ =	swait.ge [sflag:s19], $0x4000  }
0x1f: {  	p0 =	seq.s32 s29, $0x0;
	[sflag:s19] =	ssyncset.done $0x0;
	v8 =	vor.u32 v0, v17  }
0x20: {  	s0 =	simm.s32 @!p0 $0x5;
	v9 =	vor.u32 v0, v16;
	[sflag:s19] =	ssyncadd.s32 $0xFFFFC000  }
0x21: {  	_ =	swait.ge @!p0 [sflag:s0], $0x2000  }
0x22: {  	[sflag:s0] =	ssyncset.done @!p0 $0x0  }
0x23: {  	[sflag:s0] =	ssyncadd.s32 @!p0 $0xFFFFE000  }
0x24: {  	v8 =	vld.idx.msk [tilespmem:v8+s14+$0x0], $0xffff  }
0x25: {  	v9 =	vld.idx.msk [tilespmem:v9+s14+$0x0], $0xffff;
	_ =	sdelay $0x1  }
0x26: {  	v10 =	vor.u32 v1, v17  }
0x27: {  	s28 =	simm.s32 $0x3;
	v11 =	vor.u32 v1, v16  }
0x28: {  	s31 =	simm.s32 $0x2;
	v12 =	vmov s28;
	v8 =	vmul.f32 $8.000000000e+00, v8  }
0x29: {  	v13 =	vmov s31;
	s16 =	simm.s32 $0x16480;
	v14 =	vmul.f32 $8.000000000e+00, v9;
	v9 =	vand.u32 $0x7F, v12  }
0x2a: {  	v13 =	vand.u32 $0x7E, v13;
	v12 =	vbroadcast v9, $0x0;
	[tilespmem:s16+$0x0] =	vst v8  }
0x2b: {  	v9 =	vbroadcast v13, $0x0;
	[tilespmem:s16+$0xFFFFFF80] =	vst v14;
	v8 =	vld.idx.msk [tilespmem:v10+s14+$0x0], $0xffff  }
0x2c: {  	v10 =	vld.idx.msk [tilespmem:v11+s14+$0x0], $0xffff;
	v11 =	vor.u32 v0, v12  }
0x2d: {  	v13 =	vor.u32 v0, v9  }
0x2e: {  	v14 =	vor.u32 v2, v17  }
0x2f: {  	v15 =	vor.u32 v2, v16  }
0x30: {  	v8 =	vmul.f32 $8.000000000e+00, v8  }
0x31: {  	v11 =	vld.idx.msk [tilespmem:v11+s14+$0x0], $0xffff;
	v10 =	vmul.f32 $8.000000000e+00, v10  }
0x32: {  	v13 =	vld.idx.msk [tilespmem:v13+s14+$0x0], $0xffff;
	[tilespmem:s16+$0x10] =	vst v8  }
0x33: {  	[tilespmem:s16+$0xFFFFFF90] =	vst v10;
	v8 =	vld.idx.msk [tilespmem:v14+s14+$0x0], $0xffff  }
0x34: {  	s4 =	simm.s32 $0x5;
	v14 =	vld.idx.msk [tilespmem:v15+s14+$0x0], $0xffff;
	v15 =	vor.u32 v1, v12  }
0x35: {  	v20 =	vmov s4;
	v18 =	vor.u32 v1, v9  }
0x36: {  	s1 =	simm.s32 $0x4;
	v20 =	vand.u32 $0x7F, v20;
	v19 =	vor.u32 v3, v17;
	v11 =	vmul.f32 $8.000000000e+00, v11  }
0x37: {  	v21 =	vor.u32 v3, v16;
	s0 =	simm.s32 $0x16580;
	v10 =	vmov s1;
	v13 =	vmul.f32 $8.000000000e+00, v13  }
0x38: {  	v22 =	vand.u32 $0x7E, v10;
	v10 =	vbroadcast v20, $0x0;
	[tilespmem:s0+$0x0] =	vst v11;
	v11 =	vmul.f32 $8.000000000e+00, v8  }
0x39: {  	[tilespmem:s0+$0xFFFFFF80] =	vst v13;
	v8 =	vbroadcast v22, $0x0;
	v13 =	vld.idx.msk [tilespmem:v15+s14+$0x0], $0xffff;
	v14 =	vmul.f32 $8.000000000e+00, v14  }
0x3a: {  	v15 =	vld.idx.msk [tilespmem:v18+s14+$0x0], $0xffff;
	[tilespmem:s16+$0x20] =	vst v11;
	v11 =	vor.u32 v0, v10  }
0x3b: {  	v18 =	vor.u32 v0, v8;
	[tilespmem:s16+$0xFFFFFFA0] =	vst v14;
	v14 =	vld.idx.msk [tilespmem:v19+s14+$0x0], $0xffff  }
0x3c: {  	v20 =	vor.u32 v2, v12;
	v19 =	vld.idx.msk [tilespmem:v21+s14+$0x0], $0xffff  }
0x3d: {  	v21 =	vor.u32 v2, v9  }
0x3e: {  	v22 =	vor.u32 v4, v17;
	v13 =	vmul.f32 $8.000000000e+00, v13  }
0x3f: {  	v23 =	vld.idx.msk [tilespmem:v11+s14+$0x0], $0xffff;
	v11 =	vmul.f32 $8.000000000e+00, v15;
	v15 =	vor.u32 v4, v16  }
0x40: {  	v18 =	vld.idx.msk [tilespmem:v18+s14+$0x0], $0xffff;
	[tilespmem:s0+$0x10] =	vst v13;
	v13 =	vmul.f32 $8.000000000e+00, v14  }
0x41: {  	s6 =	simm.s32 $0x6;
	v14 =	vld.idx.msk [tilespmem:v20+s14+$0x0], $0xffff;
	[tilespmem:s0+$0xFFFFFF90] =	vst v11;
	v11 =	vmul.f32 $8.000000000e+00, v19  }
0x42: {  	v19 =	vmov s6;
	v20 =	vld.idx.msk [tilespmem:v21+s14+$0x0], $0xffff;
	[tilespmem:s16+$0x30] =	vst v13;
	v21 =	vor.u32 v1, v10  }
0x43: {  	v13 =	vand.u32 $0x7E, v19;
	[tilespmem:s16+$0xFFFFFFB0] =	vst v11;
	v19 =	vld.idx.msk [tilespmem:v22+s14+$0x0], $0xffff;
	v22 =	vor.u32 v1, v8  }
0x44: {  	s9 =	simm.s32 $0x7;
	v11 =	vbroadcast v13, $0x0;
	v15 =	vld.idx.msk [tilespmem:v15+s14+$0x0], $0xffff;
	v13 =	vmul.f32 $8.000000000e+00, v23;
	v23 =	vor.u32 v3, v12  }
0x45: {  	v25 =	vmov s9;
	v24 =	vor.u32 v3, v9;
	s1 =	simm.s32 $0x16680;
	v18 =	vmul.f32 $8.000000000e+00, v18  }
0x46: {  	v25 =	vand.u32 $0x7F, v25;
	v26 =	vor.u32 v5, v17;
	v14 =	vmul.f32 $8.000000000e+00, v14;
	[tilespmem:s1+$0x0] =	vst v13  }
0x47: {  	v13 =	vbroadcast v25, $0x0;
	[tilespmem:s1+$0xFFFFFF80] =	vst v18;
	v25 =	vor.u32 v0, v11;
	v18 =	vld.idx.msk [tilespmem:v21+s14+$0x0], $0xffff;
	v20 =	vmul.f32 $8.000000000e+00, v20  }
0x48: {  	v21 =	vor.u32 v5, v16;
	[tilespmem:s0+$0x20] =	vst v14;
	v22 =	vld.idx.msk [tilespmem:v22+s14+$0x0], $0xffff;
	v14 =	vmul.f32 $8.000000000e+00, v19  }
0x49: {  	v19 =	vor.u32 v0, v13;
	[tilespmem:s0+$0xFFFFFFA0] =	vst v20;
	v20 =	vld.idx.msk [tilespmem:v23+s14+$0x0], $0xffff;
	v15 =	vmul.f32 $8.000000000e+00, v15  }
0x4a: {  	s12 =	simm.s32 $0x8;
	v23 =	vld.idx.msk [tilespmem:v24+s14+$0x0], $0xffff;
	[tilespmem:s16+$0x40] =	vst v14;
	v24 =	vor.u32 v2, v10  }
0x4b: {  	v14 =	vmov s12;
	[tilespmem:s16+$0xFFFFFFC0] =	vst v15;
	v15 =	vld.idx.msk [tilespmem:v26+s14+$0x0], $0xffff;
	v26 =	vor.u32 v2, v8  }
0x4c: {  	v27 =	vor.u32 v4, v12;
	v25 =	vld.idx.msk [tilespmem:v25+s14+$0x0], $0xffff;
	v14 =	vand.u32 $0x7E, v14;
	v18 =	vmul.f32 $8.000000000e+00, v18  }
0x4d: {  	v28 =	vor.u32 v4, v9;
	v21 =	vld.idx.msk [tilespmem:v21+s14+$0x0], $0xffff;
	v14 =	vbroadcast v14, $0x0;
	v22 =	vmul.f32 $8.000000000e+00, v22  }
0x4e: {  	v19 =	vld.idx.msk [tilespmem:v19+s14+$0x0], $0xffff;
	[tilespmem:s1+$0x10] =	vst v18;
	v18 =	vmul.f32 $8.000000000e+00, v20;
	v20 =	vor.u32 v6, v17  }
0x4f: {  	v29 =	vor.u32 v0, v14;
	[tilespmem:s1+$0xFFFFFF90] =	vst v22;
	v22 =	vld.idx.msk [tilespmem:v24+s14+$0x0], $0xffff;
	v23 =	vmul.f32 $8.000000000e+00, v23  }
0x50: {  	v24 =	vor.u32 v6, v16;
	v26 =	vld.idx.msk [tilespmem:v26+s14+$0x0], $0xffff;
	[tilespmem:s0+$0x30] =	vst v18;
	v15 =	vmul.f32 $8.000000000e+00, v15  }
0x51: {  	v30 =	vor.u32 v1, v13;
	[tilespmem:s0+$0xFFFFFFB0] =	vst v23;
	v23 =	vld.idx.msk [tilespmem:v27+s14+$0x0], $0xffff  }
0x52: {  	v18 =	vmul.f32 $8.000000000e+00, v21;
	v21 =	vor.u32 v1, v11;
	v27 =	vld.idx.msk [tilespmem:v28+s14+$0x0], $0xffff;
	[tilespmem:s16+$0x50] =	vst v15  }
0x53: {  	s28 =	simm.s32 $0x9;
	v15 =	vmul.f32 $8.000000000e+00, v19;
	v19 =	vor.u32 v3, v10;
	v20 =	vld.idx.msk [tilespmem:v20+s14+$0x0], $0xffff  }
0x54: {  	v31 =	vmov s28;
	s6 =	simm.s32 $0x16780;
	v25 =	vmul.f32 $8.000000000e+00, v25;
	v28 =	vor.u32 v3, v8;
	[tilespmem:s16+$0xFFFFFFD0] =	vst v18;
	v18 =	vld.idx.msk [tilespmem:v29+s14+$0x0], $0xffff  }
0x55: {  	v29 =	vand.u32 $0x7F, v31;
	v31 =	vor.u32 v5, v12;
	v24 =	vld.idx.msk [tilespmem:v24+s14+$0x0], $0xffff;
	[tilespmem:s6+$0x0] =	vst v15;
	v22 =	vmul.f32 $8.000000000e+00, v22  }
0x56: {  	[tilespmem:s6+$0xFFFFFF80] =	vst v25;
	v15 =	vbroadcast v29, $0x0;
	v29 =	vor.u32 v5, v9;
	v25 =	vld.idx.msk [tilespmem:v30+s14+$0x0], $0xffff;
	v26 =	vmul.f32 $8.000000000e+00, v26  }
0x57: {  	v17 =	vor.u32 v7, v17;
	v21 =	vld.idx.msk [tilespmem:v21+s14+$0x0], $0xffff;
	[tilespmem:s1+$0x20] =	vst v22;
	v22 =	vmul.f32 $8.000000000e+00, v23  }
0x58: {  	v23 =	vor.u32 v0, v15;
	[tilespmem:s1+$0xFFFFFFA0] =	vst v26;
	v19 =	vld.idx.msk [tilespmem:v19+s14+$0x0], $0xffff;
	v26 =	vmul.f32 $8.000000000e+00, v27  }
0x59: {  	v16 =	vor.u32 v7, v16;
	v28 =	vld.idx.msk [tilespmem:v28+s14+$0x0], $0xffff;
	[tilespmem:s0+$0x40] =	vst v22;
	v20 =	vmul.f32 $8.000000000e+00, v20  }
0x5a: {  	v22 =	vor.u32 v2, v13;
	[tilespmem:s0+$0xFFFFFFC0] =	vst v26;
	v26 =	vld.idx.msk [tilespmem:v31+s14+$0x0], $0xffff  }
0x5b: {  	s31 =	simm.s32 $0xA;
	v30 =	vor.u32 v2, v11;
	v24 =	vmul.f32 $8.000000000e+00, v24;
	v29 =	vld.idx.msk [tilespmem:v29+s14+$0x0], $0xffff;
	[tilespmem:s16+$0x60] =	vst v20  }
0x5c: {  	v27 =	vmov s31;
	v20 =	vmul.f32 $8.000000000e+00, v25;
	v25 =	vor.u32 v4, v10;
	v17 =	vld.idx.msk [tilespmem:v17+s14+$0x0], $0xffff  }
0x5d: {  	v31 =	vor.u32 v4, v8;
	[tilespmem:s16+$0xFFFFFFE0] =	vst v24;
	v32 =	vld.idx.msk [tilespmem:v23+s14+$0x0], $0xffff;
	v21 =	vmul.f32 $8.000000000e+00, v21;
	v23 =	vand.u32 $0x7E, v27  }
0x5e: {  	v33 =	vor.u32 v6, v12;
	[tilespmem:s6+$0x10] =	vst v20;
	v20 =	vmul.f32 $8.000000000e+00, v19;
	v19 =	vld.idx.msk [tilespmem:v16+s14+$0x0], $0xffff;
	v16 =	vbroadcast v23, $0x0  }
0x5f: {  	v23 =	vor.u32 v6, v9;
	[tilespmem:s6+$0xFFFFFF90] =	vst v21;
	v27 =	vld.idx.msk [tilespmem:v22+s14+$0x0], $0xffff;
	v22 =	vmul.f32 $8.000000000e+00, v28  }
0x60: {  	v21 =	vld.idx.msk [tilespmem:v30+s14+$0x0], $0xffff;
	[tilespmem:s1+$0x30] =	vst v20;
	v20 =	vmul.f32 $8.000000000e+00, v26;
	v30 =	vor.u32 v0, v16  }
0x61: {  	[tilespmem:s1+$0xFFFFFFB0] =	vst v22;
	v24 =	vld.idx.msk [tilespmem:v25+s14+$0x0], $0xffff;
	v26 =	vmul.f32 $8.000000000e+00, v29;
	v29 =	vor.u32 v1, v15  }
0x62: {  	v28 =	vor.u32 v1, v14;
	v22 =	vld.idx.msk [tilespmem:v31+s14+$0x0], $0xffff;
	[tilespmem:s0+$0x50] =	vst v20;
	v31 =	vmul.f32 $8.000000000e+00, v17  }
0x63: {  	s9 =	simm.s32 $0xC;
	s4 =	simm.s32 $0x16780;
	s12 =	simm.s32 $0xB;
	v25 =	vor.u32 v3, v13;
	v32 =	vmul.f32 $8.000000000e+00, v32;
	v20 =	vor.u32 v3, v11;
	[tilespmem:s0+$0xFFFFFFD0] =	vst v26;
	v26 =	vld.idx.msk [tilespmem:v33+s14+$0x0], $0xffff  }
.LBB2_3:
0x64: {  	p1 =	slt.u32 s9, $0x3E;
	v17 =	vmov s12;
	v33 =	vmul.f32 $8.000000000e+00, v18;
	s6 =	sadd.s32 $0x100, s6;
	v23 =	vld.idx.msk [tilespmem:v23+s14+$0x0], $0xffff;
	v19 =	vmul.f32 $8.000000000e+00, v19;
	[tilespmem:s16+$0x70] =	vst v31  }
0x65: {  	v27 =	vmul.f32 $8.000000000e+00, v27;
	v18 =	vld.idx.msk [tilespmem:v30+s14+$0x0], $0xffff;
	v17 =	vand.u32 $0x7F, v17;
	[tilespmem:s6+$0x0] =	vst v32;
	v30 =	vor.u32 v5, v10  }
0x66: {  	v31 =	vor.u32 v5, v8;
	v21 =	vmul.f32 $8.000000000e+00, v21;
	v17 =	vbroadcast v17, $0x0;
	[tilespmem:s6+$0xFFFFFF80] =	vst v33;
	v29 =	vld.idx.msk [tilespmem:v29+s14+$0x0], $0xffff  }
0x67: {  	v24 =	vmul.f32 $8.000000000e+00, v24;
	v28 =	vld.idx.msk [tilespmem:v28+s14+$0x0], $0xffff;
	[tilespmem:s4+$0x20] =	vst v27;
	v27 =	vor.u32 v7, v12;
	v12 =	vmovc v10;
	v10 =	vmov v13  }
0x68: {  	v22 =	vmul.f32 $8.000000000e+00, v22;
	v13 =	vmovc v15;
	v32 =	vor.u32 v0, v17;
	[tilespmem:s4+$0xFFFFFFA0] =	vst v21;
	v21 =	vld.idx.msk [tilespmem:v25+s14+$0x0], $0xffff;
	v15 =	vmov v17  }
0x69: {  	v17 =	vld.idx.msk [tilespmem:v20+s14+$0x0], $0xffff;
	[tilespmem:s1+$0x40] =	vst v24;
	v20 =	vor.u32 v7, v9;
	v24 =	vmul.f32 $8.000000000e+00, v26;
	v9 =	vmovc v8;
	v8 =	vmov v11  }
0x6a: {  	v25 =	vor.u32 v2, v13;
	v23 =	vmul.f32 $8.000000000e+00, v23;
	v11 =	vmovc v14;
	v14 =	vmov v16;
	[tilespmem:s1+$0xFFFFFFC0] =	vst v22;
	v22 =	vld.idx.msk [tilespmem:v30+s14+$0x0], $0xffff  }
0x6b: {  	v26 =	vor.u32 v2, v11;
	v31 =	vld.idx.msk [tilespmem:v31+s14+$0x0], $0xffff;
	[tilespmem:s0+$0x60] =	vst v24  }
0x6c: {  	v33 =	vor.u32 v4, v10;
	v16 =	vmov s9;
	v24 =	vmul.f32 $8.000000000e+00, v29;
	[tilespmem:s0+$0xFFFFFFE0] =	vst v23;
	v34 =	vld.idx.msk [tilespmem:v27+s14+$0x0], $0xffff  }
0x6d: {  	v16 =	vand.u32 $0x7E, v16;
	v35 =	vor.u32 v4, v8;
	v23 =	vmul.f32 $8.000000000e+00, v28;
	v32 =	vld.idx.msk [tilespmem:v32+s14+$0x0], $0xffff;
	[tilespmem:s16+$0xFFFFFFF0] =	vst v19;
	s16 =	smov.u32 s0;
	s0 =	smov.u32 s1;
	s1 =	smov.u32 s4  }
0x6e: {  	v36 =	vor.u32 v6, v12;
	v16 =	vbroadcast v16, $0x0;
	s4 =	smov.u32 s6;
	[tilespmem:s6+$0x10] =	vst v24;
	v24 =	vmul.f32 $8.000000000e+00, v21;
	v19 =	vld.idx.msk [tilespmem:v20+s14+$0x0], $0xffff  }
.Ltmp0:
0x6f: {  	v17 =	vmul.f32 $8.000000000e+00, v17;
	[tilespmem:s6+$0xFFFFFF90] =	vst v23;
	v27 =	vld.idx.msk [tilespmem:v25+s14+$0x0], $0xffff;
	v23 =	vor.u32 v6, v9;
	(pc) =	sbr.rel @p1 .LBB2_3-.Ltmp0, $4  }
0x70: {  	v30 =	vor.u32 v0, v16;
	v20 =	vmul.f32 $8.000000000e+00, v22;
	v21 =	vld.idx.msk [tilespmem:v26+s14+$0x0], $0xffff;
	[tilespmem:s1+$0x30] =	vst v24  }
0x71: {  	v29 =	vor.u32 v1, v15;
	[tilespmem:s1+$0xFFFFFFB0] =	vst v17;
	v24 =	vld.idx.msk [tilespmem:v33+s14+$0x0], $0xffff;
	v17 =	vmul.f32 $8.000000000e+00, v31  }
0x72: {  	v28 =	vor.u32 v1, v14;
	v31 =	vmul.f32 $8.000000000e+00, v34;
	v22 =	vld.idx.msk [tilespmem:v35+s14+$0x0], $0xffff;
	[tilespmem:s0+$0x50] =	vst v20  }
0x73: {  	s12 =	sadd.s32 $0x1, s9;
	s9 =	sadd.s32 $0x2, s9;
	v25 =	vor.u32 v3, v13;
	v32 =	vmul.f32 $8.000000000e+00, v32;
	v20 =	vor.u32 v3, v11;
	[tilespmem:s0+$0xFFFFFFD0] =	vst v17;
	v26 =	vld.idx.msk [tilespmem:v36+s14+$0x0], $0xffff  }
0x74: {  	v17 =	vmov s12  }
0x75: {  	v17 =	vand.u32 $0x7F, v17  }
0x76: {  	v17 =	vbroadcast v17, $0x0;
	_ =	sdelay $0x1  }
0x77: {  	v33 =	vor.u32 v0, v17;
	_ =	sdelay $0x3  }
0x78: {  	v30 =	vld.idx.msk [tilespmem:v30+s14+$0x0], $0xffff  }
0x79: {  	v33 =	vld.idx.msk [tilespmem:v33+s14+$0x0], $0xffff;
	_ =	sdelay $0x1  }
0x7a: {  	v18 =	vmul.f32 $8.000000000e+00, v18;
	v35 =	vor.u32 v1, v16  }
0x7b: {  	s6 =	sadd.s32 $0x100, s6;
	v34 =	vor.u32 v1, v17  }
0x7c: {  	[tilespmem:s6+$0xFFFFFF80] =	vst v18;
	v40 =	vmul.f32 $8.000000000e+00, v30  }
0x7d: {  	[tilespmem:s6+$0x0] =	vst v32;
	s9 =	sadd.s32 $0x100, s6;
	v28 =	vld.idx.msk [tilespmem:v28+s14+$0x0], $0xffff;
	v38 =	vmul.f32 $8.000000000e+00, v33  }
0x7e: {  	v39 =	vld.idx.msk [tilespmem:v29+s14+$0x0], $0xffff;
	[tilespmem:s9+$0xFFFFFF80] =	vst v40  }
0x7f: {  	v43 =	vld.idx.msk [tilespmem:v35+s14+$0x0], $0xffff;
	[tilespmem:s9+$0x0] =	vst v38  }
0x80: {  	v44 =	vor.u32 v2, v14;
	v41 =	vld.idx.msk [tilespmem:v34+s14+$0x0], $0xffff  }
0x81: {  	v42 =	vor.u32 v2, v15;
	v27 =	vmul.f32 $8.000000000e+00, v27  }
0x82: {  	[tilespmem:s16+$0x70] =	vst v31;
	v47 =	vor.u32 v2, v16;
	v46 =	vmul.f32 $8.000000000e+00, v28  }
0x83: {  	[tilespmem:s4+$0x20] =	vst v27;
	v45 =	vor.u32 v2, v17;
	v18 =	vmul.f32 $8.000000000e+00, v39  }
0x84: {  	[tilespmem:s6+$0xFFFFFF90] =	vst v46;
	v50 =	vmul.f32 $8.000000000e+00, v43  }
0x85: {  	[tilespmem:s6+$0x10] =	vst v18;
	v51 =	vld.idx.msk [tilespmem:v44+s14+$0x0], $0xffff;
	v48 =	vmul.f32 $8.000000000e+00, v41  }
0x86: {  	v19 =	vmul.f32 $8.000000000e+00, v19;
	v49 =	vld.idx.msk [tilespmem:v42+s14+$0x0], $0xffff;
	[tilespmem:s9+$0xFFFFFF90] =	vst v50  }
0x87: {  	v21 =	vmul.f32 $8.000000000e+00, v21;
	v32 =	vor.u32 v5, v8;
	v28 =	vld.idx.msk [tilespmem:v47+s14+$0x0], $0xffff;
	[tilespmem:s9+$0x10] =	vst v48  }
0x88: {  	v57 =	vor.u32 v3, v14;
	v52 =	vmul.f32 $8.000000000e+00, v24;
	[tilespmem:s16+$0xFFFFFFF0] =	vst v19;
	v53 =	vld.idx.msk [tilespmem:v45+s14+$0x0], $0xffff  }
0x89: {  	v55 =	vor.u32 v3, v15;
	v23 =	vld.idx.msk [tilespmem:v23+s14+$0x0], $0xffff;
	[tilespmem:s4+$0xFFFFFFA0] =	vst v21;
	v54 =	vmul.f32 $8.000000000e+00, v22  }
0x8a: {  	v61 =	vor.u32 v3, v16;
	v25 =	vld.idx.msk [tilespmem:v25+s14+$0x0], $0xffff;
	[tilespmem:s1+$0x40] =	vst v52;
	v60 =	vmul.f32 $8.000000000e+00, v51  }
0x8b: {  	v59 =	vor.u32 v3, v17;
	v20 =	vld.idx.msk [tilespmem:v20+s14+$0x0], $0xffff;
	[tilespmem:s1+$0xFFFFFFC0] =	vst v54;
	v58 =	vmul.f32 $8.000000000e+00, v49  }
0x8c: {  	v12 =	vor.u32 v7, v12;
	v24 =	vld.idx.msk [tilespmem:v32+s14+$0x0], $0xffff;
	[tilespmem:s6+$0xFFFFFFA0] =	vst v60;
	v34 =	vmul.f32 $8.000000000e+00, v28  }
0x8d: {  	v62 =	vor.u32 v5, v10;
	v56 =	vmul.f32 $8.000000000e+00, v26;
	[tilespmem:s6+$0x20] =	vst v58;
	v26 =	vld.idx.msk [tilespmem:v57+s14+$0x0], $0xffff;
	v63 =	vmul.f32 $8.000000000e+00, v53  }
0x8e: {  	v36 =	vor.u32 v4, v11;
	v33 =	vld.idx.msk [tilespmem:v55+s14+$0x0], $0xffff;
	[tilespmem:s9+$0xFFFFFFA0] =	vst v34  }
0x8f: {  	v23 =	vmul.f32 $8.000000000e+00, v23;
	v35 =	vor.u32 v4, v13;
	v40 =	vld.idx.msk [tilespmem:v61+s14+$0x0], $0xffff;
	[tilespmem:s9+$0x20] =	vst v63  }
0x90: {  	[tilespmem:s0+$0x60] =	vst v56;
	v42 =	vmul.f32 $8.000000000e+00, v20;
	v43 =	vor.u32 v4, v14;
	v37 =	vld.idx.msk [tilespmem:v59+s14+$0x0], $0xffff  }
0x91: {  	[tilespmem:s0+$0xFFFFFFE0] =	vst v23;
	v39 =	vor.u32 v4, v15;
	v12 =	vld.idx.msk [tilespmem:v12+s14+$0x0], $0xffff;
	v38 =	vmul.f32 $8.000000000e+00, v25  }
0x92: {  	v46 =	vor.u32 v4, v16;
	[tilespmem:s4+$0xFFFFFFB0] =	vst v42;
	v41 =	vld.idx.msk [tilespmem:v62+s14+$0x0], $0xffff;
	v26 =	vmul.f32 $8.000000000e+00, v26  }
0x93: {  	v44 =	vor.u32 v4, v17;
	v21 =	vld.idx.msk [tilespmem:v36+s14+$0x0], $0xffff;
	[tilespmem:s4+$0x30] =	vst v38;
	v18 =	vmul.f32 $8.000000000e+00, v33  }
0x94: {  	v9 =	vor.u32 v7, v9;
	v45 =	vld.idx.msk [tilespmem:v35+s14+$0x0], $0xffff;
	[tilespmem:s6+$0xFFFFFFB0] =	vst v26;
	v49 =	vmul.f32 $8.000000000e+00, v40  }
0x95: {  	v48 =	vor.u32 v6, v10;
	[tilespmem:s6+$0x30] =	vst v18;
	v20 =	vld.idx.msk [tilespmem:v43+s14+$0x0], $0xffff;
	v47 =	vmul.f32 $8.000000000e+00, v37  }
0x96: {  	v52 =	vmul.f32 $8.000000000e+00, v24;
	v25 =	vld.idx.msk [tilespmem:v39+s14+$0x0], $0xffff;
	v53 =	vor.u32 v5, v11;
	[tilespmem:s9+$0xFFFFFFB0] =	vst v49  }
0x97: {  	v51 =	vor.u32 v5, v13;
	v50 =	vmul.f32 $8.000000000e+00, v41;
	v55 =	vld.idx.msk [tilespmem:v46+s14+$0x0], $0xffff;
	[tilespmem:s9+$0x30] =	vst v47  }
0x98: {  	[tilespmem:s1+$0xFFFFFFD0] =	vst v52;
	v56 =	vmul.f32 $8.000000000e+00, v21;
	v57 =	vor.u32 v5, v14;
	v23 =	vld.idx.msk [tilespmem:v44+s14+$0x0], $0xffff  }
0x99: {  	v54 =	vor.u32 v5, v15;
	v9 =	vld.idx.msk [tilespmem:v9+s14+$0x0], $0xffff;
	[tilespmem:s1+$0x50] =	vst v50;
	v19 =	vmul.f32 $8.000000000e+00, v45  }
0x9a: {  	[tilespmem:s4+$0xFFFFFFC0] =	vst v56;
	v61 =	vor.u32 v5, v16;
	v22 =	vld.idx.msk [tilespmem:v48+s14+$0x0], $0xffff;
	v20 =	vmul.f32 $8.000000000e+00, v20  }
0x9b: {  	v58 =	vmul.f32 $8.000000000e+00, v25;
	[tilespmem:s4+$0x40] =	vst v19;
	v59 =	vor.u32 v5, v17;
	v24 =	vld.idx.msk [tilespmem:v53+s14+$0x0], $0xffff  }
0x9c: {  	v62 =	vor.u32 v6, v8;
	v60 =	vld.idx.msk [tilespmem:v51+s14+$0x0], $0xffff;
	[tilespmem:s6+$0xFFFFFFC0] =	vst v20;
	v31 =	vmul.f32 $8.000000000e+00, v55  }
0x9d: {  	[tilespmem:s6+$0x40] =	vst v58;
	v21 =	vld.idx.msk [tilespmem:v57+s14+$0x0], $0xffff;
	v63 =	vmul.f32 $8.000000000e+00, v23  }
0x9e: {  	v12 =	vmul.f32 $8.000000000e+00, v12;
	v34 =	vor.u32 v6, v11;
	v30 =	vld.idx.msk [tilespmem:v54+s14+$0x0], $0xffff;
	[tilespmem:s9+$0xFFFFFFC0] =	vst v31  }
0x9f: {  	v32 =	vor.u32 v6, v13;
	v9 =	vmul.f32 $8.000000000e+00, v9;
	v38 =	vld.idx.msk [tilespmem:v61+s14+$0x0], $0xffff;
	[tilespmem:s9+$0x40] =	vst v63  }
0xa0: {  	[tilespmem:s0+$0x70] =	vst v12;
	v41 =	vor.u32 v6, v14;
	v40 =	vmul.f32 $8.000000000e+00, v24;
	v35 =	vld.idx.msk [tilespmem:v59+s14+$0x0], $0xffff  }
0xa1: {  	[tilespmem:s0+$0xFFFFFFF0] =	vst v9;
	v39 =	vld.idx.msk [tilespmem:v62+s14+$0x0], $0xffff;
	v36 =	vmul.f32 $8.000000000e+00, v60;
	v37 =	vor.u32 v6, v15  }
0xa2: {  	v45 =	vor.u32 v6, v16;
	v21 =	vmul.f32 $8.000000000e+00, v21;
	[tilespmem:s4+$0xFFFFFFD0] =	vst v40  }
0xa3: {  	v43 =	vor.u32 v6, v17;
	v33 =	vmul.f32 $8.000000000e+00, v22;
	v42 =	vmul.f32 $8.000000000e+00, v30;
	[tilespmem:s4+$0x50] =	vst v36;
	v22 =	vld.idx.msk [tilespmem:v34+s14+$0x0], $0xffff  }
0xa4: {  	v8 =	vor.u32 v7, v8;
	v44 =	vld.idx.msk [tilespmem:v32+s14+$0x0], $0xffff;
	[tilespmem:s6+$0xFFFFFFD0] =	vst v21;
	v48 =	vmul.f32 $8.000000000e+00, v38  }
0xa5: {  	v46 =	vor.u32 v7, v10;
	[tilespmem:s6+$0x50] =	vst v42;
	v24 =	vld.idx.msk [tilespmem:v41+s14+$0x0], $0xffff;
	v47 =	vmul.f32 $8.000000000e+00, v35  }
0xa6: {  	v49 =	vmul.f32 $8.000000000e+00, v39;
	v51 =	vor.u32 v7, v11;
	v18 =	vld.idx.msk [tilespmem:v37+s14+$0x0], $0xffff;
	[tilespmem:s9+$0xFFFFFFD0] =	vst v48  }
0xa7: {  	v50 =	vor.u32 v7, v13;
	v53 =	vld.idx.msk [tilespmem:v45+s14+$0x0], $0xffff;
	[tilespmem:s9+$0x50] =	vst v47  }
0xa8: {  	[tilespmem:s1+$0xFFFFFFE0] =	vst v49;
	v55 =	vor.u32 v7, v14;
	v54 =	vmul.f32 $8.000000000e+00, v22;
	v12 =	vld.idx.msk [tilespmem:v43+s14+$0x0], $0xffff  }
0xa9: {  	v52 =	vor.u32 v7, v15;
	v8 =	vld.idx.msk [tilespmem:v8+s14+$0x0], $0xffff;
	[tilespmem:s1+$0x60] =	vst v33;
	v19 =	vmul.f32 $8.000000000e+00, v44  }
0xaa: {  	v58 =	vor.u32 v7, v16;
	v10 =	vld.idx.msk [tilespmem:v46+s14+$0x0], $0xffff;
	v57 =	vmul.f32 $8.000000000e+00, v24;
	[tilespmem:s4+$0xFFFFFFE0] =	vst v54  }
0xab: {  	v17 =	vor.u32 v7, v17;
	[tilespmem:s4+$0x60] =	vst v19;
	v18 =	vmul.f32 $8.000000000e+00, v18;
	v11 =	vld.idx.msk [tilespmem:v51+s14+$0x0], $0xffff  }
0xac: {  	v56 =	vld.idx.msk [tilespmem:v50+s14+$0x0], $0xffff;
	[tilespmem:s6+$0xFFFFFFE0] =	vst v57;
	v60 =	vmul.f32 $8.000000000e+00, v53  }
0xad: {  	[tilespmem:s6+$0x60] =	vst v18;
	v14 =	vld.idx.msk [tilespmem:v55+s14+$0x0], $0xffff;
	v12 =	vmul.f32 $8.000000000e+00, v12  }
0xae: {  	v8 =	vmul.f32 $8.000000000e+00, v8;
	v59 =	vld.idx.msk [tilespmem:v52+s14+$0x0], $0xffff;
	[tilespmem:s9+$0xFFFFFFE0] =	vst v60  }
0xaf: {  	v10 =	vmul.f32 $8.000000000e+00, v10;
	v61 =	vld.idx.msk [tilespmem:v58+s14+$0x0], $0xffff;
	[tilespmem:s9+$0x60] =	vst v12  }
0xb0: {  	[tilespmem:s1+$0xFFFFFFF0] =	vst v8;
	v8 =	vmul.f32 $8.000000000e+00, v11;
	v12 =	vld.idx.msk [tilespmem:v17+s14+$0x0], $0xffff  }
0xb1: {  	[tilespmem:s1+$0x70] =	vst v10;
	v9 =	vmul.f32 $8.000000000e+00, v56  }
0xb2: {  	[tilespmem:s4+$0xFFFFFFF0] =	vst v8;
	v8 =	vmul.f32 $8.000000000e+00, v14  }
0xb3: {  	p1 =	sne.s32 s29, $0x31;
	[tilespmem:s4+$0x70] =	vst v9;
	v62 =	vmul.f32 $8.000000000e+00, v59  }
.Ltmp1:
0xb4: {  	s28 =	sshll.u32 s29, $0x14;
	[tilespmem:s6+$0xFFFFFFF0] =	vst v8;
	v8 =	vmul.f32 $8.000000000e+00, v61;
	(pc) =	sbr.rel @p1 .LBB2_6-.Ltmp1, $4  }
0xb5: {  	s0 =	sor.u32 s5, s28;
	[tilespmem:s6+$0x70] =	vst v62;
	v63 =	vmul.f32 $8.000000000e+00, v12  }
0xb6: {  	s31 =	sshrl.u32 s0, $0x3;
	[tilespmem:s9+$0xFFFFFFF0] =	vst v8  }
0xb7: {  	s0 =	sadd.s32 s3, s31;
	[tilespmem:s9+$0x70] =	vst v63  }
0xb8: {  	[hbm4b:s0+s10] =	stream.strided.scatter [tilespmem:s20], [sflag:$0x5], $0x2000, s11, s10, $0x38;
	[tilespmem:$0x1A400] =	vst v63  }
.Ltmp2:
0xb9: {  	(pc) =	sbr.rel .LBB2_7-.Ltmp2, $4  }
0xba: {  	_ = 	snop  }
0xbb: {  	_ =	swait.ge [sflag:s21], $0x4000  }
0xbc: {  	[sflag:s21] =	ssyncset.done $0x0  }
0xbd: {  	[sflag:s21] =	ssyncadd.s32 $0xFFFFC000  }
.LBB2_6:
0xbe: {  	s0 =	sshll.u32 s29, $0x9  }
0xbf: {  	s0 =	sand.u32 $0x3FFFFE00, s0  }
.Ltmp3:
0xc0: {  	s0 =	sadd.s32 $0x200, s0;
	(pc) =	sbr.rel @p0 .LBB2_8-.Ltmp3, $4  }
0xc1: {  	[tilespmem:s14], [sflag:$0x1] =	stream.indirect.gather [hbm4b:s2+s13], $0x80, s0, s13, $0xb8;
	[tilespmem:$0x1A400] =	vst v63  }
0xc2: {  	_ =	swait.ge [sflag:s21], $0x4000  }
0xc3: {  	[sflag:s21] =	ssyncset.done $0x0  }
0xc4: {  	[sflag:s21] =	ssyncadd.s32 $0xFFFFC000  }
.LBB2_7:
0xc5: {  	_ =	swait.ge [sflag:s22], $0x2000  }
0xc6: {  	[sflag:s22] =	ssyncset.done $0x0  }
0xc7: {  	[sflag:s22] =	ssyncadd.s32 $0xFFFFE000  }
.LBB2_8:
0xc8: {  	s0 =	simm.s32 $0x1  }
0xc9: {  	s1 =	simm.s32 $0x0;
	v8 =	vmov s0  }
0xca: {  	v9 =	vmov s1;
	v8 =	vand.u32 $0x7F, v8  }
0xcb: {  	v9 =	vand.u32 $0x7E, v9;
	v17 =	vbroadcast v8, $0x0  }
0xcc: {  	v16 =	vbroadcast v9, $0x0  }
0xcd: {  	v8 =	vor.u32 v0, v17  }
0xce: {  	v9 =	vor.u32 v0, v16;
	_ =	sdelay $0x3  }
0xcf: {  	v8 =	vld.idx.msk [tilespmem:v8+s15+$0x0], $0xffff  }
0xd0: {  	v9 =	vld.idx.msk [tilespmem:v9+s15+$0x0], $0xffff;
	_ =	sdelay $0x1  }
0xd1: {  	v10 =	vor.u32 v1, v17  }
0xd2: {  	s16 =	simm.s32 $0x3;
	v11 =	vor.u32 v1, v16  }
0xd3: {  	s28 =	simm.s32 $0x2;
	v12 =	vmov s16;
	v8 =	vmul.f32 $8.000000000e+00, v8  }
0xd4: {  	s16 =	simm.s32 $0x18480;
	v13 =	vmov s28;
	v14 =	vmul.f32 $8.000000000e+00, v9;
	v9 =	vand.u32 $0x7F, v12  }
0xd5: {  	v13 =	vand.u32 $0x7E, v13;
	v12 =	vbroadcast v9, $0x0;
	[tilespmem:s16+$0x0] =	vst v8  }
0xd6: {  	v9 =	vbroadcast v13, $0x0;
	[tilespmem:s16+$0xFFFFFF80] =	vst v14;
	v8 =	vld.idx.msk [tilespmem:v10+s15+$0x0], $0xffff  }
0xd7: {  	v10 =	vld.idx.msk [tilespmem:v11+s15+$0x0], $0xffff;
	v11 =	vor.u32 v0, v12  }
0xd8: {  	v13 =	vor.u32 v0, v9  }
0xd9: {  	v14 =	vor.u32 v2, v17  }
0xda: {  	v15 =	vor.u32 v2, v16  }
0xdb: {  	v8 =	vmul.f32 $8.000000000e+00, v8  }
0xdc: {  	v11 =	vld.idx.msk [tilespmem:v11+s15+$0x0], $0xffff;
	v10 =	vmul.f32 $8.000000000e+00, v10  }
0xdd: {  	v13 =	vld.idx.msk [tilespmem:v13+s15+$0x0], $0xffff;
	[tilespmem:s16+$0x10] =	vst v8  }
0xde: {  	[tilespmem:s16+$0xFFFFFF90] =	vst v10;
	v8 =	vld.idx.msk [tilespmem:v14+s15+$0x0], $0xffff  }
0xdf: {  	s4 =	simm.s32 $0x5;
	v14 =	vld.idx.msk [tilespmem:v15+s15+$0x0], $0xffff;
	v15 =	vor.u32 v1, v12  }
0xe0: {  	v20 =	vmov s4;
	v18 =	vor.u32 v1, v9  }
0xe1: {  	s1 =	simm.s32 $0x4;
	v20 =	vand.u32 $0x7F, v20;
	v19 =	vor.u32 v3, v17;
	v11 =	vmul.f32 $8.000000000e+00, v11  }
0xe2: {  	s0 =	simm.s32 $0x18580;
	v21 =	vor.u32 v3, v16;
	v10 =	vmov s1;
	v13 =	vmul.f32 $8.000000000e+00, v13  }
0xe3: {  	v22 =	vand.u32 $0x7E, v10;
	v10 =	vbroadcast v20, $0x0;
	[tilespmem:s0+$0x0] =	vst v11;
	v11 =	vmul.f32 $8.000000000e+00, v8  }
0xe4: {  	[tilespmem:s0+$0xFFFFFF80] =	vst v13;
	v8 =	vbroadcast v22, $0x0;
	v13 =	vld.idx.msk [tilespmem:v15+s15+$0x0], $0xffff;
	v14 =	vmul.f32 $8.000000000e+00, v14  }
0xe5: {  	v15 =	vld.idx.msk [tilespmem:v18+s15+$0x0], $0xffff;
	[tilespmem:s16+$0x20] =	vst v11;
	v11 =	vor.u32 v0, v10  }
0xe6: {  	v18 =	vor.u32 v0, v8;
	[tilespmem:s16+$0xFFFFFFA0] =	vst v14;
	v14 =	vld.idx.msk [tilespmem:v19+s15+$0x0], $0xffff  }
0xe7: {  	v20 =	vor.u32 v2, v12;
	v19 =	vld.idx.msk [tilespmem:v21+s15+$0x0], $0xffff  }
0xe8: {  	v21 =	vor.u32 v2, v9  }
0xe9: {  	v22 =	vor.u32 v4, v17;
	v13 =	vmul.f32 $8.000000000e+00, v13  }
0xea: {  	v23 =	vld.idx.msk [tilespmem:v11+s15+$0x0], $0xffff;
	v11 =	vmul.f32 $8.000000000e+00, v15;
	v15 =	vor.u32 v4, v16  }
0xeb: {  	v18 =	vld.idx.msk [tilespmem:v18+s15+$0x0], $0xffff;
	[tilespmem:s0+$0x10] =	vst v13;
	v13 =	vmul.f32 $8.000000000e+00, v14  }
0xec: {  	s6 =	simm.s32 $0x6;
	v14 =	vld.idx.msk [tilespmem:v20+s15+$0x0], $0xffff;
	[tilespmem:s0+$0xFFFFFF90] =	vst v11;
	v11 =	vmul.f32 $8.000000000e+00, v19  }
0xed: {  	v19 =	vmov s6;
	v20 =	vld.idx.msk [tilespmem:v21+s15+$0x0], $0xffff;
	[tilespmem:s16+$0x30] =	vst v13;
	v21 =	vor.u32 v1, v10  }
0xee: {  	v13 =	vand.u32 $0x7E, v19;
	[tilespmem:s16+$0xFFFFFFB0] =	vst v11;
	v19 =	vld.idx.msk [tilespmem:v22+s15+$0x0], $0xffff;
	v22 =	vor.u32 v1, v8  }
0xef: {  	s9 =	simm.s32 $0x7;
	v11 =	vbroadcast v13, $0x0;
	v15 =	vld.idx.msk [tilespmem:v15+s15+$0x0], $0xffff;
	v13 =	vmul.f32 $8.000000000e+00, v23;
	v23 =	vor.u32 v3, v12  }
0xf0: {  	v25 =	vmov s9;
	v24 =	vor.u32 v3, v9;
	s1 =	simm.s32 $0x18680;
	v18 =	vmul.f32 $8.000000000e+00, v18  }
0xf1: {  	v25 =	vand.u32 $0x7F, v25;
	v26 =	vor.u32 v5, v17;
	v14 =	vmul.f32 $8.000000000e+00, v14;
	[tilespmem:s1+$0x0] =	vst v13  }
0xf2: {  	v13 =	vbroadcast v25, $0x0;
	[tilespmem:s1+$0xFFFFFF80] =	vst v18;
	v25 =	vor.u32 v0, v11;
	v18 =	vld.idx.msk [tilespmem:v21+s15+$0x0], $0xffff;
	v20 =	vmul.f32 $8.000000000e+00, v20  }
0xf3: {  	v21 =	vor.u32 v5, v16;
	[tilespmem:s0+$0x20] =	vst v14;
	v22 =	vld.idx.msk [tilespmem:v22+s15+$0x0], $0xffff;
	v14 =	vmul.f32 $8.000000000e+00, v19  }
0xf4: {  	v19 =	vor.u32 v0, v13;
	[tilespmem:s0+$0xFFFFFFA0] =	vst v20;
	v20 =	vld.idx.msk [tilespmem:v23+s15+$0x0], $0xffff;
	v15 =	vmul.f32 $8.000000000e+00, v15  }
0xf5: {  	s4 =	simm.s32 $0x8;
	v23 =	vld.idx.msk [tilespmem:v24+s15+$0x0], $0xffff;
	[tilespmem:s16+$0x40] =	vst v14;
	v24 =	vor.u32 v2, v10  }
0xf6: {  	v14 =	vmov s4;
	[tilespmem:s16+$0xFFFFFFC0] =	vst v15;
	v15 =	vld.idx.msk [tilespmem:v26+s15+$0x0], $0xffff;
	v26 =	vor.u32 v2, v8  }
0xf7: {  	v27 =	vor.u32 v4, v12;
	v25 =	vld.idx.msk [tilespmem:v25+s15+$0x0], $0xffff;
	v14 =	vand.u32 $0x7E, v14;
	v18 =	vmul.f32 $8.000000000e+00, v18  }
0xf8: {  	v28 =	vor.u32 v4, v9;
	v21 =	vld.idx.msk [tilespmem:v21+s15+$0x0], $0xffff;
	v14 =	vbroadcast v14, $0x0;
	v22 =	vmul.f32 $8.000000000e+00, v22  }
0xf9: {  	v19 =	vld.idx.msk [tilespmem:v19+s15+$0x0], $0xffff;
	[tilespmem:s1+$0x10] =	vst v18;
	v18 =	vmul.f32 $8.000000000e+00, v20;
	v20 =	vor.u32 v6, v17  }
0xfa: {  	v29 =	vor.u32 v0, v14;
	[tilespmem:s1+$0xFFFFFF90] =	vst v22;
	v22 =	vld.idx.msk [tilespmem:v24+s15+$0x0], $0xffff;
	v23 =	vmul.f32 $8.000000000e+00, v23  }
0xfb: {  	v24 =	vor.u32 v6, v16;
	v26 =	vld.idx.msk [tilespmem:v26+s15+$0x0], $0xffff;
	[tilespmem:s0+$0x30] =	vst v18;
	v15 =	vmul.f32 $8.000000000e+00, v15  }
0xfc: {  	v30 =	vor.u32 v1, v13;
	[tilespmem:s0+$0xFFFFFFB0] =	vst v23;
	v23 =	vld.idx.msk [tilespmem:v27+s15+$0x0], $0xffff  }
0xfd: {  	v18 =	vmul.f32 $8.000000000e+00, v21;
	v21 =	vor.u32 v1, v11;
	v27 =	vld.idx.msk [tilespmem:v28+s15+$0x0], $0xffff;
	[tilespmem:s16+$0x50] =	vst v15  }
0xfe: {  	s12 =	simm.s32 $0x9;
	v15 =	vmul.f32 $8.000000000e+00, v19;
	v19 =	vor.u32 v3, v10;
	v20 =	vld.idx.msk [tilespmem:v20+s15+$0x0], $0xffff  }
0xff: {  	v31 =	vmov s12;
	s6 =	simm.s32 $0x18780;
	v25 =	vmul.f32 $8.000000000e+00, v25;
	v28 =	vor.u32 v3, v8;
	[tilespmem:s16+$0xFFFFFFD0] =	vst v18;
	v18 =	vld.idx.msk [tilespmem:v29+s15+$0x0], $0xffff  }
0x100: {  	v29 =	vand.u32 $0x7F, v31;
	v31 =	vor.u32 v5, v12;
	v24 =	vld.idx.msk [tilespmem:v24+s15+$0x0], $0xffff;
	[tilespmem:s6+$0x0] =	vst v15;
	v22 =	vmul.f32 $8.000000000e+00, v22  }
0x101: {  	[tilespmem:s6+$0xFFFFFF80] =	vst v25;
	v15 =	vbroadcast v29, $0x0;
	v29 =	vor.u32 v5, v9;
	v25 =	vld.idx.msk [tilespmem:v30+s15+$0x0], $0xffff;
	v26 =	vmul.f32 $8.000000000e+00, v26  }
0x102: {  	v17 =	vor.u32 v7, v17;
	v21 =	vld.idx.msk [tilespmem:v21+s15+$0x0], $0xffff;
	[tilespmem:s1+$0x20] =	vst v22;
	v22 =	vmul.f32 $8.000000000e+00, v23  }
0x103: {  	v23 =	vor.u32 v0, v15;
	[tilespmem:s1+$0xFFFFFFA0] =	vst v26;
	v19 =	vld.idx.msk [tilespmem:v19+s15+$0x0], $0xffff;
	v26 =	vmul.f32 $8.000000000e+00, v27  }
0x104: {  	v16 =	vor.u32 v7, v16;
	v28 =	vld.idx.msk [tilespmem:v28+s15+$0x0], $0xffff;
	[tilespmem:s0+$0x40] =	vst v22;
	v20 =	vmul.f32 $8.000000000e+00, v20  }
0x105: {  	v22 =	vor.u32 v2, v13;
	[tilespmem:s0+$0xFFFFFFC0] =	vst v26;
	v26 =	vld.idx.msk [tilespmem:v31+s15+$0x0], $0xffff  }
0x106: {  	s28 =	simm.s32 $0xA;
	v30 =	vor.u32 v2, v11;
	v24 =	vmul.f32 $8.000000000e+00, v24;
	v29 =	vld.idx.msk [tilespmem:v29+s15+$0x0], $0xffff;
	[tilespmem:s16+$0x60] =	vst v20  }
0x107: {  	v27 =	vmov s28;
	v20 =	vmul.f32 $8.000000000e+00, v25;
	v25 =	vor.u32 v4, v10;
	v17 =	vld.idx.msk [tilespmem:v17+s15+$0x0], $0xffff  }
0x108: {  	v31 =	vor.u32 v4, v8;
	[tilespmem:s16+$0xFFFFFFE0] =	vst v24;
	v32 =	vld.idx.msk [tilespmem:v23+s15+$0x0], $0xffff;
	v21 =	vmul.f32 $8.000000000e+00, v21;
	v23 =	vand.u32 $0x7E, v27  }
0x109: {  	v33 =	vor.u32 v6, v12;
	[tilespmem:s6+$0x10] =	vst v20;
	v20 =	vmul.f32 $8.000000000e+00, v19;
	v19 =	vld.idx.msk [tilespmem:v16+s15+$0x0], $0xffff;
	v16 =	vbroadcast v23, $0x0  }
0x10a: {  	v23 =	vor.u32 v6, v9;
	[tilespmem:s6+$0xFFFFFF90] =	vst v21;
	v27 =	vld.idx.msk [tilespmem:v22+s15+$0x0], $0xffff;
	v22 =	vmul.f32 $8.000000000e+00, v28  }
0x10b: {  	v21 =	vld.idx.msk [tilespmem:v30+s15+$0x0], $0xffff;
	[tilespmem:s1+$0x30] =	vst v20;
	v20 =	vmul.f32 $8.000000000e+00, v26;
	v30 =	vor.u32 v0, v16  }
0x10c: {  	[tilespmem:s1+$0xFFFFFFB0] =	vst v22;
	v24 =	vld.idx.msk [tilespmem:v25+s15+$0x0], $0xffff;
	v26 =	vmul.f32 $8.000000000e+00, v29;
	v29 =	vor.u32 v1, v15  }
0x10d: {  	v28 =	vor.u32 v1, v14;
	v22 =	vld.idx.msk [tilespmem:v31+s15+$0x0], $0xffff;
	[tilespmem:s0+$0x50] =	vst v20;
	v31 =	vmul.f32 $8.000000000e+00, v17  }
0x10e: {  	s12 =	simm.s32 $0xB;
	s9 =	simm.s32 $0xC;
	s4 =	simm.s32 $0x18780;
	v25 =	vor.u32 v3, v13;
	v32 =	vmul.f32 $8.000000000e+00, v32;
	v20 =	vor.u32 v3, v11;
	[tilespmem:s0+$0xFFFFFFD0] =	vst v26;
	v26 =	vld.idx.msk [tilespmem:v33+s15+$0x0], $0xffff  }
.LBB2_9:
0x10f: {  	p0 =	slt.u32 s9, $0x3E;
	v17 =	vmov s12;
	v33 =	vmul.f32 $8.000000000e+00, v18;
	s6 =	sadd.s32 $0x100, s6;
	v23 =	vld.idx.msk [tilespmem:v23+s15+$0x0], $0xffff;
	v19 =	vmul.f32 $8.000000000e+00, v19;
	[tilespmem:s16+$0x70] =	vst v31  }
0x110: {  	v27 =	vmul.f32 $8.000000000e+00, v27;
	v18 =	vld.idx.msk [tilespmem:v30+s15+$0x0], $0xffff;
	v17 =	vand.u32 $0x7F, v17;
	[tilespmem:s6+$0x0] =	vst v32;
	v30 =	vor.u32 v5, v10  }
0x111: {  	v31 =	vor.u32 v5, v8;
	v21 =	vmul.f32 $8.000000000e+00, v21;
	v17 =	vbroadcast v17, $0x0;
	[tilespmem:s6+$0xFFFFFF80] =	vst v33;
	v29 =	vld.idx.msk [tilespmem:v29+s15+$0x0], $0xffff  }
0x112: {  	v24 =	vmul.f32 $8.000000000e+00, v24;
	v28 =	vld.idx.msk [tilespmem:v28+s15+$0x0], $0xffff;
	[tilespmem:s4+$0x20] =	vst v27;
	v27 =	vor.u32 v7, v12;
	v12 =	vmovc v10;
	v10 =	vmov v13  }
0x113: {  	v22 =	vmul.f32 $8.000000000e+00, v22;
	v13 =	vmovc v15;
	v32 =	vor.u32 v0, v17;
	[tilespmem:s4+$0xFFFFFFA0] =	vst v21;
	v21 =	vld.idx.msk [tilespmem:v25+s15+$0x0], $0xffff;
	v15 =	vmov v17  }
0x114: {  	v17 =	vld.idx.msk [tilespmem:v20+s15+$0x0], $0xffff;
	[tilespmem:s1+$0x40] =	vst v24;
	v20 =	vor.u32 v7, v9;
	v24 =	vmul.f32 $8.000000000e+00, v26;
	v9 =	vmovc v8;
	v8 =	vmov v11  }
0x115: {  	v25 =	vor.u32 v2, v13;
	v23 =	vmul.f32 $8.000000000e+00, v23;
	v11 =	vmovc v14;
	v14 =	vmov v16;
	[tilespmem:s1+$0xFFFFFFC0] =	vst v22;
	v22 =	vld.idx.msk [tilespmem:v30+s15+$0x0], $0xffff  }
0x116: {  	v26 =	vor.u32 v2, v11;
	v31 =	vld.idx.msk [tilespmem:v31+s15+$0x0], $0xffff;
	[tilespmem:s0+$0x60] =	vst v24  }
0x117: {  	v33 =	vor.u32 v4, v10;
	v16 =	vmov s9;
	v24 =	vmul.f32 $8.000000000e+00, v29;
	[tilespmem:s0+$0xFFFFFFE0] =	vst v23;
	v34 =	vld.idx.msk [tilespmem:v27+s15+$0x0], $0xffff  }
0x118: {  	v16 =	vand.u32 $0x7E, v16;
	v35 =	vor.u32 v4, v8;
	v23 =	vmul.f32 $8.000000000e+00, v28;
	v32 =	vld.idx.msk [tilespmem:v32+s15+$0x0], $0xffff;
	[tilespmem:s16+$0xFFFFFFF0] =	vst v19;
	s16 =	smov.u32 s0;
	s0 =	smov.u32 s1;
	s1 =	smov.u32 s4  }
0x119: {  	v36 =	vor.u32 v6, v12;
	v16 =	vbroadcast v16, $0x0;
	s4 =	smov.u32 s6;
	[tilespmem:s6+$0x10] =	vst v24;
	v24 =	vmul.f32 $8.000000000e+00, v21;
	v19 =	vld.idx.msk [tilespmem:v20+s15+$0x0], $0xffff  }
.Ltmp4:
0x11a: {  	v17 =	vmul.f32 $8.000000000e+00, v17;
	[tilespmem:s6+$0xFFFFFF90] =	vst v23;
	v27 =	vld.idx.msk [tilespmem:v25+s15+$0x0], $0xffff;
	v23 =	vor.u32 v6, v9;
	(pc) =	sbr.rel @p0 .LBB2_9-.Ltmp4, $4  }
0x11b: {  	v30 =	vor.u32 v0, v16;
	v20 =	vmul.f32 $8.000000000e+00, v22;
	v21 =	vld.idx.msk [tilespmem:v26+s15+$0x0], $0xffff;
	[tilespmem:s1+$0x30] =	vst v24  }
0x11c: {  	v29 =	vor.u32 v1, v15;
	[tilespmem:s1+$0xFFFFFFB0] =	vst v17;
	v24 =	vld.idx.msk [tilespmem:v33+s15+$0x0], $0xffff;
	v17 =	vmul.f32 $8.000000000e+00, v31  }
0x11d: {  	v28 =	vor.u32 v1, v14;
	v31 =	vmul.f32 $8.000000000e+00, v34;
	v22 =	vld.idx.msk [tilespmem:v35+s15+$0x0], $0xffff;
	[tilespmem:s0+$0x50] =	vst v20  }
0x11e: {  	s12 =	sadd.s32 $0x1, s9;
	s9 =	sadd.s32 $0x2, s9;
	v25 =	vor.u32 v3, v13;
	v32 =	vmul.f32 $8.000000000e+00, v32;
	v20 =	vor.u32 v3, v11;
	[tilespmem:s0+$0xFFFFFFD0] =	vst v17;
	v26 =	vld.idx.msk [tilespmem:v36+s15+$0x0], $0xffff  }
0x11f: {  	v17 =	vmov s12  }
0x120: {  	v17 =	vand.u32 $0x7F, v17  }
0x121: {  	v17 =	vbroadcast v17, $0x0;
	_ =	sdelay $0x1  }
0x122: {  	v33 =	vor.u32 v0, v17;
	_ =	sdelay $0x4  }
0x123: {  	v33 =	vld.idx.msk [tilespmem:v33+s15+$0x0], $0xffff  }
0x124: {  	v30 =	vld.idx.msk [tilespmem:v30+s15+$0x0], $0xffff;
	_ =	sdelay $0x1  }
0x125: {  	v34 =	vor.u32 v1, v17  }
0x126: {  	v18 =	vmul.f32 $8.000000000e+00, v18;
	s6 =	sadd.s32 $0x100, s6;
	v35 =	vor.u32 v1, v16  }
0x127: {  	[tilespmem:s6+$0x0] =	vst v32;
	v59 =	vmul.f32 $8.000000000e+00, v33  }
0x128: {  	s9 =	sadd.s32 $0x100, s6;
	[tilespmem:s6+$0xFFFFFF80] =	vst v18;
	v18 =	vld.idx.msk [tilespmem:v29+s15+$0x0], $0xffff;
	v29 =	vmul.f32 $8.000000000e+00, v30  }
0x129: {  	v28 =	vld.idx.msk [tilespmem:v28+s15+$0x0], $0xffff;
	[tilespmem:s9+$0x0] =	vst v59  }
0x12a: {  	[tilespmem:s9+$0xFFFFFF80] =	vst v29;
	v29 =	vld.idx.msk [tilespmem:v34+s15+$0x0], $0xffff  }
0x12b: {  	v30 =	vor.u32 v2, v15;
	v60 =	vld.idx.msk [tilespmem:v35+s15+$0x0], $0xffff  }
0x12c: {  	v27 =	vmul.f32 $8.000000000e+00, v27;
	v61 =	vor.u32 v2, v14  }
0x12d: {  	[tilespmem:s16+$0x70] =	vst v31;
	v31 =	vor.u32 v2, v17;
	v18 =	vmul.f32 $8.000000000e+00, v18  }
0x12e: {  	[tilespmem:s4+$0x20] =	vst v27;
	v27 =	vmul.f32 $8.000000000e+00, v28;
	v28 =	vor.u32 v2, v16  }
0x12f: {  	[tilespmem:s6+$0x10] =	vst v18;
	v18 =	vmul.f32 $8.000000000e+00, v29  }
0x130: {  	[tilespmem:s6+$0xFFFFFF90] =	vst v27;
	v27 =	vld.idx.msk [tilespmem:v30+s15+$0x0], $0xffff;
	v29 =	vmul.f32 $8.000000000e+00, v60  }
0x131: {  	v21 =	vmul.f32 $8.000000000e+00, v21;
	v30 =	vld.idx.msk [tilespmem:v61+s15+$0x0], $0xffff;
	[tilespmem:s9+$0x10] =	vst v18  }
0x132: {  	v18 =	vmul.f32 $8.000000000e+00, v24;
	[tilespmem:s9+$0xFFFFFF90] =	vst v29;
	v24 =	vld.idx.msk [tilespmem:v31+s15+$0x0], $0xffff  }
0x133: {  	[tilespmem:s4+$0xFFFFFFA0] =	vst v21;
	v21 =	vmul.f32 $8.000000000e+00, v22;
	v22 =	vor.u32 v3, v15;
	v28 =	vld.idx.msk [tilespmem:v28+s15+$0x0], $0xffff  }
0x134: {  	v23 =	vld.idx.msk [tilespmem:v23+s15+$0x0], $0xffff;
	[tilespmem:s1+$0x40] =	vst v18;
	v18 =	vmul.f32 $8.000000000e+00, v26;
	v26 =	vor.u32 v3, v14  }
0x135: {  	[tilespmem:s1+$0xFFFFFFC0] =	vst v21;
	v21 =	vmul.f32 $8.000000000e+00, v27;
	v27 =	vor.u32 v3, v17  }
0x136: {  	v25 =	vld.idx.msk [tilespmem:v25+s15+$0x0], $0xffff;
	v29 =	vor.u32 v3, v16;
	[tilespmem:s0+$0x60] =	vst v18;
	v18 =	vmul.f32 $8.000000000e+00, v30  }
0x137: {  	v20 =	vld.idx.msk [tilespmem:v20+s15+$0x0], $0xffff;
	[tilespmem:s6+$0x20] =	vst v21;
	v30 =	vor.u32 v5, v10;
	v21 =	vmul.f32 $8.000000000e+00, v24  }
0x138: {  	v24 =	vor.u32 v5, v8;
	[tilespmem:s6+$0xFFFFFFA0] =	vst v18;
	v18 =	vld.idx.msk [tilespmem:v22+s15+$0x0], $0xffff;
	v22 =	vmul.f32 $8.000000000e+00, v28  }
0x139: {  	v23 =	vmul.f32 $8.000000000e+00, v23;
	v28 =	vor.u32 v4, v13;
	v26 =	vld.idx.msk [tilespmem:v26+s15+$0x0], $0xffff;
	[tilespmem:s9+$0x20] =	vst v21  }
0x13a: {  	v19 =	vmul.f32 $8.000000000e+00, v19;
	v21 =	vor.u32 v4, v11;
	[tilespmem:s9+$0xFFFFFFA0] =	vst v22;
	v22 =	vld.idx.msk [tilespmem:v27+s15+$0x0], $0xffff  }
0x13b: {  	[tilespmem:s0+$0xFFFFFFE0] =	vst v23;
	v23 =	vmul.f32 $8.000000000e+00, v25;
	v25 =	vor.u32 v4, v15;
	v27 =	vld.idx.msk [tilespmem:v29+s15+$0x0], $0xffff  }
0x13c: {  	[tilespmem:s16+$0xFFFFFFF0] =	vst v19;
	v19 =	vmul.f32 $8.000000000e+00, v20;
	v20 =	vor.u32 v4, v14;
	v29 =	vld.idx.msk [tilespmem:v30+s15+$0x0], $0xffff  }
0x13d: {  	[tilespmem:s4+$0x30] =	vst v23;
	v23 =	vor.u32 v4, v17;
	v24 =	vld.idx.msk [tilespmem:v24+s15+$0x0], $0xffff;
	v18 =	vmul.f32 $8.000000000e+00, v18  }
0x13e: {  	[tilespmem:s4+$0xFFFFFFB0] =	vst v19;
	v19 =	vld.idx.msk [tilespmem:v28+s15+$0x0], $0xffff;
	v28 =	vor.u32 v4, v16;
	v26 =	vmul.f32 $8.000000000e+00, v26  }
0x13f: {  	v12 =	vor.u32 v7, v12;
	v21 =	vld.idx.msk [tilespmem:v21+s15+$0x0], $0xffff;
	[tilespmem:s6+$0x30] =	vst v18;
	v18 =	vmul.f32 $8.000000000e+00, v22  }
0x140: {  	v22 =	vor.u32 v6, v10;
	[tilespmem:s6+$0xFFFFFFB0] =	vst v26;
	v25 =	vld.idx.msk [tilespmem:v25+s15+$0x0], $0xffff;
	v26 =	vmul.f32 $8.000000000e+00, v27  }
0x141: {  	v27 =	vmul.f32 $8.000000000e+00, v29;
	v29 =	vor.u32 v5, v13;
	v20 =	vld.idx.msk [tilespmem:v20+s15+$0x0], $0xffff;
	[tilespmem:s9+$0x30] =	vst v18  }
0x142: {  	v18 =	vmul.f32 $8.000000000e+00, v24;
	v24 =	vor.u32 v5, v11;
	[tilespmem:s9+$0xFFFFFFB0] =	vst v26;
	v23 =	vld.idx.msk [tilespmem:v23+s15+$0x0], $0xffff  }
0x143: {  	[tilespmem:s1+$0x50] =	vst v27;
	v19 =	vmul.f32 $8.000000000e+00, v19;
	v26 =	vor.u32 v5, v15;
	v27 =	vld.idx.msk [tilespmem:v28+s15+$0x0], $0xffff  }
0x144: {  	v12 =	vld.idx.msk [tilespmem:v12+s15+$0x0], $0xffff;
	[tilespmem:s1+$0xFFFFFFD0] =	vst v18;
	v18 =	vmul.f32 $8.000000000e+00, v21;
	v21 =	vor.u32 v5, v14  }
0x145: {  	[tilespmem:s4+$0x40] =	vst v19;
	v22 =	vld.idx.msk [tilespmem:v22+s15+$0x0], $0xffff;
	v19 =	vmul.f32 $8.000000000e+00, v25;
	v25 =	vor.u32 v5, v17  }
0x146: {  	v28 =	vor.u32 v5, v16;
	[tilespmem:s4+$0xFFFFFFC0] =	vst v18;
	v18 =	vld.idx.msk [tilespmem:v29+s15+$0x0], $0xffff;
	v20 =	vmul.f32 $8.000000000e+00, v20  }
0x147: {  	v9 =	vor.u32 v7, v9;
	v24 =	vld.idx.msk [tilespmem:v24+s15+$0x0], $0xffff;
	[tilespmem:s6+$0x40] =	vst v19;
	v19 =	vmul.f32 $8.000000000e+00, v23  }
0x148: {  	v29 =	vor.u32 v6, v8;
	[tilespmem:s6+$0xFFFFFFC0] =	vst v20;
	v20 =	vld.idx.msk [tilespmem:v26+s15+$0x0], $0xffff;
	v23 =	vmul.f32 $8.000000000e+00, v27  }
0x149: {  	v12 =	vmul.f32 $8.000000000e+00, v12;
	v26 =	vor.u32 v6, v13;
	v21 =	vld.idx.msk [tilespmem:v21+s15+$0x0], $0xffff;
	[tilespmem:s9+$0x40] =	vst v19  }
0x14a: {  	v19 =	vmul.f32 $8.000000000e+00, v22;
	v22 =	vor.u32 v6, v11;
	[tilespmem:s9+$0xFFFFFFC0] =	vst v23;
	v23 =	vld.idx.msk [tilespmem:v25+s15+$0x0], $0xffff  }
0x14b: {  	[tilespmem:s0+$0x70] =	vst v12;
	v12 =	vmul.f32 $8.000000000e+00, v18;
	v18 =	vor.u32 v6, v15;
	v25 =	vld.idx.msk [tilespmem:v28+s15+$0x0], $0xffff  }
0x14c: {  	v9 =	vld.idx.msk [tilespmem:v9+s15+$0x0], $0xffff;
	[tilespmem:s1+$0x60] =	vst v19;
	v19 =	vmul.f32 $8.000000000e+00, v24;
	v24 =	vor.u32 v6, v14  }
0x14d: {  	v27 =	vld.idx.msk [tilespmem:v29+s15+$0x0], $0xffff;
	[tilespmem:s4+$0x50] =	vst v12;
	v12 =	vmul.f32 $8.000000000e+00, v20;
	v20 =	vor.u32 v6, v17  }
0x14e: {  	[tilespmem:s4+$0xFFFFFFD0] =	vst v19;
	v19 =	vld.idx.msk [tilespmem:v26+s15+$0x0], $0xffff;
	v21 =	vmul.f32 $8.000000000e+00, v21;
	v26 =	vor.u32 v6, v16  }
0x14f: {  	v10 =	vor.u32 v7, v10;
	v22 =	vld.idx.msk [tilespmem:v22+s15+$0x0], $0xffff;
	[tilespmem:s6+$0x50] =	vst v12;
	v12 =	vmul.f32 $8.000000000e+00, v23  }
0x150: {  	v8 =	vor.u32 v7, v8;
	[tilespmem:s6+$0xFFFFFFD0] =	vst v21;
	v18 =	vld.idx.msk [tilespmem:v18+s15+$0x0], $0xffff;
	v21 =	vmul.f32 $8.000000000e+00, v25  }
0x151: {  	v9 =	vmul.f32 $8.000000000e+00, v9;
	v13 =	vor.u32 v7, v13;
	v24 =	vld.idx.msk [tilespmem:v24+s15+$0x0], $0xffff;
	[tilespmem:s9+$0x50] =	vst v12  }
0x152: {  	v11 =	vor.u32 v7, v11;
	v23 =	vmul.f32 $8.000000000e+00, v27;
	[tilespmem:s9+$0xFFFFFFD0] =	vst v21;
	v12 =	vld.idx.msk [tilespmem:v20+s15+$0x0], $0xffff  }
0x153: {  	[tilespmem:s0+$0xFFFFFFF0] =	vst v9;
	v15 =	vor.u32 v7, v15;
	v19 =	vmul.f32 $8.000000000e+00, v19;
	v20 =	vld.idx.msk [tilespmem:v26+s15+$0x0], $0xffff  }
0x154: {  	v14 =	vor.u32 v7, v14;
	v10 =	vld.idx.msk [tilespmem:v10+s15+$0x0], $0xffff;
	[tilespmem:s1+$0xFFFFFFE0] =	vst v23;
	v9 =	vmul.f32 $8.000000000e+00, v22  }
0x155: {  	v17 =	vor.u32 v7, v17;
	v8 =	vld.idx.msk [tilespmem:v8+s15+$0x0], $0xffff;
	[tilespmem:s4+$0x60] =	vst v19;
	v18 =	vmul.f32 $8.000000000e+00, v18  }
0x156: {  	v16 =	vor.u32 v7, v16;
	[tilespmem:s4+$0xFFFFFFE0] =	vst v9;
	v9 =	vld.idx.msk [tilespmem:v13+s15+$0x0], $0xffff;
	v13 =	vmul.f32 $8.000000000e+00, v24  }
0x157: {  	v11 =	vld.idx.msk [tilespmem:v11+s15+$0x0], $0xffff;
	[tilespmem:s6+$0x60] =	vst v18;
	v12 =	vmul.f32 $8.000000000e+00, v12  }
0x158: {  	[tilespmem:s6+$0xFFFFFFE0] =	vst v13;
	v13 =	vld.idx.msk [tilespmem:v15+s15+$0x0], $0xffff;
	v15 =	vmul.f32 $8.000000000e+00, v20  }
0x159: {  	v10 =	vmul.f32 $8.000000000e+00, v10;
	v14 =	vld.idx.msk [tilespmem:v14+s15+$0x0], $0xffff;
	[tilespmem:s9+$0x60] =	vst v12  }
0x15a: {  	v8 =	vmul.f32 $8.000000000e+00, v8;
	[tilespmem:s9+$0xFFFFFFE0] =	vst v15;
	v12 =	vld.idx.msk [tilespmem:v17+s15+$0x0], $0xffff  }
0x15b: {  	[tilespmem:s1+$0x70] =	vst v10;
	v9 =	vmul.f32 $8.000000000e+00, v9;
	v10 =	vld.idx.msk [tilespmem:v16+s15+$0x0], $0xffff  }
0x15c: {  	[tilespmem:s1+$0xFFFFFFF0] =	vst v8;
	v8 =	vmul.f32 $8.000000000e+00, v11  }
0x15d: {  	[tilespmem:s4+$0x70] =	vst v9;
	v9 =	vmul.f32 $8.000000000e+00, v13  }
0x15e: {  	[tilespmem:s4+$0xFFFFFFF0] =	vst v8;
	v8 =	vmul.f32 $8.000000000e+00, v14  }
0x15f: {  	[tilespmem:s6+$0x70] =	vst v9;
	v9 =	vmul.f32 $8.000000000e+00, v12  }
0x160: {  	p0 =	seq.s32 s29, $0x31;
	[tilespmem:s6+$0xFFFFFFF0] =	vst v8;
	v8 =	vmul.f32 $8.000000000e+00, v10  }
0x161: {  	s12 =	simm.s32 $0x1;
	s0 =	sshll.u32 @!p0 s29, $0x9;
	[tilespmem:s9+$0x70] =	vst v9  }
0x162: {  	s16 =	simm.s32 $0x0;
	s0 =	sand.u32 @!p0 $0x3FFFFE00, s0;
	[tilespmem:s9+$0xFFFFFFF0] =	vst v8;
	s9 =	sadd.s32 s31, s7  }
0x163: {  	v8 =	vmov s12;
	[hbm4b:s9+s10] =	stream.strided.scatter [tilespmem:s23], [sflag:$0x6], $0x2000, s11, s10, $0x38;
	[tilespmem:$0x1A400] =	vst v63  }
0x164: {  	s1 =	sadd.s32 @!p0 $0x280, s0;
	s6 =	simm.s32 @!p0 $0x80;
	v9 =	vmov s16;
	s9 =	simm.s32 @!p0 $0xA400;
	v8 =	vand.u32 $0x7F, v8  }
0x165: {  	v9 =	vand.u32 $0x7E, v9;
	v17 =	vbroadcast v8, $0x0;
	[tilespmem:s9], [sflag:$0x2] =	stream.indirect.gather @!p0 [hbm4b:s2+s6], $0x80, s1, s6, $0xb8;
	[tilespmem:$0x1A400] =	vst v63  }
0x166: {  	v16 =	vbroadcast v9, $0x0;
	_ =	swait.ge [sflag:s24], $0x4000  }
0x167: {  	v8 =	vor.u32 v0, v17;
	[sflag:s24] =	ssyncset.done $0x0  }
0x168: {  	v9 =	vor.u32 v0, v16;
	[sflag:s24] =	ssyncadd.s32 $0xFFFFC000  }
0x169: {  	_ =	swait.ge [sflag:s25], $0x2000  }
0x16a: {  	[sflag:s25] =	ssyncset.done $0x0  }
0x16b: {  	[sflag:s25] =	ssyncadd.s32 $0xFFFFE000  }
0x16c: {  	v8 =	vld.idx.msk [tilespmem:v8+s17+$0x0], $0xffff  }
0x16d: {  	v9 =	vld.idx.msk [tilespmem:v9+s17+$0x0], $0xffff;
	_ =	sdelay $0x1  }
0x16e: {  	v10 =	vor.u32 v1, v17  }
0x16f: {  	s12 =	simm.s32 $0x3;
	v11 =	vor.u32 v1, v16  }
0x170: {  	s16 =	simm.s32 $0x2;
	v12 =	vmov s12;
	v8 =	vmul.f32 $8.000000000e+00, v8  }
0x171: {  	s4 =	simm.s32 $0x16480;
	v13 =	vmov s16;
	v14 =	vmul.f32 $8.000000000e+00, v9;
	v9 =	vand.u32 $0x7F, v12  }
0x172: {  	v13 =	vand.u32 $0x7E, v13;
	v12 =	vbroadcast v9, $0x0;
	[tilespmem:s4+$0x0] =	vst v8  }
0x173: {  	v9 =	vbroadcast v13, $0x0;
	[tilespmem:s4+$0xFFFFFF80] =	vst v14;
	v8 =	vld.idx.msk [tilespmem:v10+s17+$0x0], $0xffff  }
0x174: {  	v10 =	vld.idx.msk [tilespmem:v11+s17+$0x0], $0xffff;
	v11 =	vor.u32 v0, v12  }
0x175: {  	v13 =	vor.u32 v0, v9  }
0x176: {  	v14 =	vor.u32 v2, v17  }
0x177: {  	v15 =	vor.u32 v2, v16  }
0x178: {  	v8 =	vmul.f32 $8.000000000e+00, v8  }
0x179: {  	v11 =	vld.idx.msk [tilespmem:v11+s17+$0x0], $0xffff;
	v10 =	vmul.f32 $8.000000000e+00, v10  }
0x17a: {  	v13 =	vld.idx.msk [tilespmem:v13+s17+$0x0], $0xffff;
	[tilespmem:s4+$0x10] =	vst v8  }
0x17b: {  	[tilespmem:s4+$0xFFFFFF90] =	vst v10;
	v8 =	vld.idx.msk [tilespmem:v14+s17+$0x0], $0xffff  }
0x17c: {  	s12 =	simm.s32 $0x5;
	v14 =	vld.idx.msk [tilespmem:v15+s17+$0x0], $0xffff;
	v15 =	vor.u32 v1, v12  }
0x17d: {  	v20 =	vmov s12;
	v18 =	vor.u32 v1, v9  }
0x17e: {  	s9 =	simm.s32 $0x4;
	v20 =	vand.u32 $0x7F, v20;
	v19 =	vor.u32 v3, v17;
	v11 =	vmul.f32 $8.000000000e+00, v11  }
0x17f: {  	s1 =	simm.s32 $0x16580;
	v21 =	vor.u32 v3, v16;
	v10 =	vmov s9;
	v13 =	vmul.f32 $8.000000000e+00, v13  }
0x180: {  	v22 =	vand.u32 $0x7E, v10;
	v10 =	vbroadcast v20, $0x0;
	[tilespmem:s1+$0x0] =	vst v11;
	v11 =	vmul.f32 $8.000000000e+00, v8  }
0x181: {  	[tilespmem:s1+$0xFFFFFF80] =	vst v13;
	v8 =	vbroadcast v22, $0x0;
	v13 =	vld.idx.msk [tilespmem:v15+s17+$0x0], $0xffff;
	v14 =	vmul.f32 $8.000000000e+00, v14  }
0x182: {  	v15 =	vld.idx.msk [tilespmem:v18+s17+$0x0], $0xffff;
	[tilespmem:s4+$0x20] =	vst v11;
	v11 =	vor.u32 v0, v10  }
0x183: {  	v18 =	vor.u32 v0, v8;
	[tilespmem:s4+$0xFFFFFFA0] =	vst v14;
	v14 =	vld.idx.msk [tilespmem:v19+s17+$0x0], $0xffff  }
0x184: {  	v20 =	vor.u32 v2, v12;
	v19 =	vld.idx.msk [tilespmem:v21+s17+$0x0], $0xffff  }
0x185: {  	v21 =	vor.u32 v2, v9  }
0x186: {  	v22 =	vor.u32 v4, v17;
	v13 =	vmul.f32 $8.000000000e+00, v13  }
0x187: {  	v23 =	vld.idx.msk [tilespmem:v11+s17+$0x0], $0xffff;
	v11 =	vmul.f32 $8.000000000e+00, v15;
	v15 =	vor.u32 v4, v16  }
0x188: {  	v18 =	vld.idx.msk [tilespmem:v18+s17+$0x0], $0xffff;
	[tilespmem:s1+$0x10] =	vst v13;
	v13 =	vmul.f32 $8.000000000e+00, v14  }
0x189: {  	s16 =	simm.s32 $0x6;
	v14 =	vld.idx.msk [tilespmem:v20+s17+$0x0], $0xffff;
	[tilespmem:s1+$0xFFFFFF90] =	vst v11;
	v11 =	vmul.f32 $8.000000000e+00, v19  }
0x18a: {  	v19 =	vmov s16;
	v20 =	vld.idx.msk [tilespmem:v21+s17+$0x0], $0xffff;
	[tilespmem:s4+$0x30] =	vst v13;
	v21 =	vor.u32 v1, v10  }
0x18b: {  	v13 =	vand.u32 $0x7E, v19;
	[tilespmem:s4+$0xFFFFFFB0] =	vst v11;
	v19 =	vld.idx.msk [tilespmem:v22+s17+$0x0], $0xffff;
	v22 =	vor.u32 v1, v8  }
0x18c: {  	s9 =	simm.s32 $0x7;
	v11 =	vbroadcast v13, $0x0;
	v15 =	vld.idx.msk [tilespmem:v15+s17+$0x0], $0xffff;
	v13 =	vmul.f32 $8.000000000e+00, v23;
	v23 =	vor.u32 v3, v12  }
0x18d: {  	v24 =	vor.u32 v3, v9;
	v25 =	vmov s9;
	s16 =	simm.s32 $0x16680;
	v18 =	vmul.f32 $8.000000000e+00, v18  }
0x18e: {  	v26 =	vor.u32 v5, v17;
	v25 =	vand.u32 $0x7F, v25;
	v14 =	vmul.f32 $8.000000000e+00, v14;
	[tilespmem:s16+$0x0] =	vst v13  }
0x18f: {  	v13 =	vbroadcast v25, $0x0;
	[tilespmem:s16+$0xFFFFFF80] =	vst v18;
	v25 =	vor.u32 v0, v11;
	v18 =	vld.idx.msk [tilespmem:v21+s17+$0x0], $0xffff;
	v20 =	vmul.f32 $8.000000000e+00, v20  }
0x190: {  	v21 =	vor.u32 v5, v16;
	[tilespmem:s1+$0x20] =	vst v14;
	v22 =	vld.idx.msk [tilespmem:v22+s17+$0x0], $0xffff;
	v14 =	vmul.f32 $8.000000000e+00, v19  }
0x191: {  	v19 =	vor.u32 v0, v13;
	[tilespmem:s1+$0xFFFFFFA0] =	vst v20;
	v20 =	vld.idx.msk [tilespmem:v23+s17+$0x0], $0xffff;
	v15 =	vmul.f32 $8.000000000e+00, v15  }
0x192: {  	s12 =	simm.s32 $0x8;
	v23 =	vld.idx.msk [tilespmem:v24+s17+$0x0], $0xffff;
	[tilespmem:s4+$0x40] =	vst v14;
	v24 =	vor.u32 v2, v10  }
0x193: {  	v14 =	vmov s12;
	[tilespmem:s4+$0xFFFFFFC0] =	vst v15;
	v15 =	vld.idx.msk [tilespmem:v26+s17+$0x0], $0xffff;
	v26 =	vor.u32 v2, v8  }
0x194: {  	v27 =	vor.u32 v4, v12;
	v25 =	vld.idx.msk [tilespmem:v25+s17+$0x0], $0xffff;
	v14 =	vand.u32 $0x7E, v14;
	v18 =	vmul.f32 $8.000000000e+00, v18  }
0x195: {  	v28 =	vor.u32 v4, v9;
	v21 =	vld.idx.msk [tilespmem:v21+s17+$0x0], $0xffff;
	v14 =	vbroadcast v14, $0x0;
	v22 =	vmul.f32 $8.000000000e+00, v22  }
0x196: {  	v19 =	vld.idx.msk [tilespmem:v19+s17+$0x0], $0xffff;
	[tilespmem:s16+$0x10] =	vst v18;
	v18 =	vmul.f32 $8.000000000e+00, v20;
	v20 =	vor.u32 v6, v17  }
0x197: {  	v29 =	vor.u32 v0, v14;
	[tilespmem:s16+$0xFFFFFF90] =	vst v22;
	v22 =	vld.idx.msk [tilespmem:v24+s17+$0x0], $0xffff;
	v23 =	vmul.f32 $8.000000000e+00, v23  }
0x198: {  	v24 =	vor.u32 v6, v16;
	v26 =	vld.idx.msk [tilespmem:v26+s17+$0x0], $0xffff;
	[tilespmem:s1+$0x30] =	vst v18;
	v15 =	vmul.f32 $8.000000000e+00, v15  }
0x199: {  	v30 =	vor.u32 v1, v13;
	[tilespmem:s1+$0xFFFFFFB0] =	vst v23;
	v23 =	vld.idx.msk [tilespmem:v27+s17+$0x0], $0xffff  }
0x19a: {  	v18 =	vmul.f32 $8.000000000e+00, v21;
	v21 =	vor.u32 v1, v11;
	v27 =	vld.idx.msk [tilespmem:v28+s17+$0x0], $0xffff;
	[tilespmem:s4+$0x50] =	vst v15  }
0x19b: {  	s9 =	simm.s32 $0x9;
	v15 =	vmul.f32 $8.000000000e+00, v19;
	v19 =	vor.u32 v3, v10;
	v20 =	vld.idx.msk [tilespmem:v20+s17+$0x0], $0xffff  }
0x19c: {  	v31 =	vmov s9;
	s9 =	simm.s32 $0x16780;
	v25 =	vmul.f32 $8.000000000e+00, v25;
	v28 =	vor.u32 v3, v8;
	[tilespmem:s4+$0xFFFFFFD0] =	vst v18;
	v18 =	vld.idx.msk [tilespmem:v29+s17+$0x0], $0xffff  }
0x19d: {  	v29 =	vand.u32 $0x7F, v31;
	v31 =	vor.u32 v5, v12;
	v24 =	vld.idx.msk [tilespmem:v24+s17+$0x0], $0xffff;
	[tilespmem:s9+$0x0] =	vst v15;
	v22 =	vmul.f32 $8.000000000e+00, v22  }
0x19e: {  	[tilespmem:s9+$0xFFFFFF80] =	vst v25;
	v15 =	vbroadcast v29, $0x0;
	v29 =	vor.u32 v5, v9;
	v25 =	vld.idx.msk [tilespmem:v30+s17+$0x0], $0xffff;
	v26 =	vmul.f32 $8.000000000e+00, v26  }
0x19f: {  	v17 =	vor.u32 v7, v17;
	v21 =	vld.idx.msk [tilespmem:v21+s17+$0x0], $0xffff;
	[tilespmem:s16+$0x20] =	vst v22;
	v22 =	vmul.f32 $8.000000000e+00, v23  }
0x1a0: {  	v23 =	vor.u32 v0, v15;
	[tilespmem:s16+$0xFFFFFFA0] =	vst v26;
	v19 =	vld.idx.msk [tilespmem:v19+s17+$0x0], $0xffff;
	v26 =	vmul.f32 $8.000000000e+00, v27  }
0x1a1: {  	v16 =	vor.u32 v7, v16;
	v28 =	vld.idx.msk [tilespmem:v28+s17+$0x0], $0xffff;
	[tilespmem:s1+$0x40] =	vst v22;
	v20 =	vmul.f32 $8.000000000e+00, v20  }
0x1a2: {  	v22 =	vor.u32 v2, v13;
	[tilespmem:s1+$0xFFFFFFC0] =	vst v26;
	v26 =	vld.idx.msk [tilespmem:v31+s17+$0x0], $0xffff  }
0x1a3: {  	s12 =	simm.s32 $0xA;
	v30 =	vor.u32 v2, v11;
	v24 =	vmul.f32 $8.000000000e+00, v24;
	v29 =	vld.idx.msk [tilespmem:v29+s17+$0x0], $0xffff;
	[tilespmem:s4+$0x60] =	vst v20  }
0x1a4: {  	v27 =	vmov s12;
	v20 =	vmul.f32 $8.000000000e+00, v25;
	v25 =	vor.u32 v4, v10;
	v17 =	vld.idx.msk [tilespmem:v17+s17+$0x0], $0xffff  }
0x1a5: {  	v31 =	vor.u32 v4, v8;
	[tilespmem:s4+$0xFFFFFFE0] =	vst v24;
	v62 =	vld.idx.msk [tilespmem:v23+s17+$0x0], $0xffff;
	v21 =	vmul.f32 $8.000000000e+00, v21;
	v23 =	vand.u32 $0x7E, v27  }
0x1a6: {  	v63 =	vor.u32 v6, v12;
	[tilespmem:s9+$0x10] =	vst v20;
	v20 =	vmul.f32 $8.000000000e+00, v19;
	v19 =	vld.idx.msk [tilespmem:v16+s17+$0x0], $0xffff;
	v16 =	vbroadcast v23, $0x0  }
0x1a7: {  	v23 =	vor.u32 v6, v9;
	[tilespmem:s9+$0xFFFFFF90] =	vst v21;
	v27 =	vld.idx.msk [tilespmem:v22+s17+$0x0], $0xffff;
	v22 =	vmul.f32 $8.000000000e+00, v28  }
0x1a8: {  	v21 =	vld.idx.msk [tilespmem:v30+s17+$0x0], $0xffff;
	[tilespmem:s16+$0x30] =	vst v20;
	v20 =	vmul.f32 $8.000000000e+00, v26;
	v30 =	vor.u32 v0, v16  }
0x1a9: {  	[tilespmem:s16+$0xFFFFFFB0] =	vst v22;
	v24 =	vld.idx.msk [tilespmem:v25+s17+$0x0], $0xffff;
	v26 =	vmul.f32 $8.000000000e+00, v29;
	v29 =	vor.u32 v1, v15  }
0x1aa: {  	v28 =	vor.u32 v1, v14;
	v22 =	vld.idx.msk [tilespmem:v31+s17+$0x0], $0xffff;
	[tilespmem:s1+$0x50] =	vst v20;
	v31 =	vmul.f32 $8.000000000e+00, v17  }
0x1ab: {  	s28 =	simm.s32 $0xB;
	s6 =	simm.s32 $0x16780;
	s12 =	simm.s32 $0xC;
	v25 =	vor.u32 v3, v13;
	v32 =	vmul.f32 $8.000000000e+00, v62;
	v20 =	vor.u32 v3, v11;
	[tilespmem:s1+$0xFFFFFFD0] =	vst v26;
	v26 =	vld.idx.msk [tilespmem:v63+s17+$0x0], $0xffff  }
.LBB2_11:
0x1ac: {  	p1 =	slt.u32 s12, $0x3E;
	v17 =	vmov s28;
	v33 =	vmul.f32 $8.000000000e+00, v18;
	s9 =	sadd.s32 $0x100, s9;
	v23 =	vld.idx.msk [tilespmem:v23+s17+$0x0], $0xffff;
	v19 =	vmul.f32 $8.000000000e+00, v19;
	[tilespmem:s4+$0x70] =	vst v31  }
0x1ad: {  	v27 =	vmul.f32 $8.000000000e+00, v27;
	v18 =	vld.idx.msk [tilespmem:v30+s17+$0x0], $0xffff;
	v17 =	vand.u32 $0x7F, v17;
	[tilespmem:s9+$0x0] =	vst v32;
	v30 =	vor.u32 v5, v10  }
0x1ae: {  	v31 =	vor.u32 v5, v8;
	v21 =	vmul.f32 $8.000000000e+00, v21;
	v17 =	vbroadcast v17, $0x0;
	[tilespmem:s9+$0xFFFFFF80] =	vst v33;
	v29 =	vld.idx.msk [tilespmem:v29+s17+$0x0], $0xffff  }
0x1af: {  	v24 =	vmul.f32 $8.000000000e+00, v24;
	v28 =	vld.idx.msk [tilespmem:v28+s17+$0x0], $0xffff;
	[tilespmem:s6+$0x20] =	vst v27;
	v27 =	vor.u32 v7, v12;
	v12 =	vmovc v10;
	v10 =	vmov v13  }
0x1b0: {  	v22 =	vmul.f32 $8.000000000e+00, v22;
	v13 =	vmovc v15;
	v32 =	vor.u32 v0, v17;
	[tilespmem:s6+$0xFFFFFFA0] =	vst v21;
	v21 =	vld.idx.msk [tilespmem:v25+s17+$0x0], $0xffff;
	v15 =	vmov v17  }
0x1b1: {  	v17 =	vld.idx.msk [tilespmem:v20+s17+$0x0], $0xffff;
	[tilespmem:s16+$0x40] =	vst v24;
	v20 =	vor.u32 v7, v9;
	v24 =	vmul.f32 $8.000000000e+00, v26;
	v9 =	vmovc v8;
	v8 =	vmov v11  }
0x1b2: {  	v25 =	vor.u32 v2, v13;
	v23 =	vmul.f32 $8.000000000e+00, v23;
	v11 =	vmovc v14;
	v14 =	vmov v16;
	[tilespmem:s16+$0xFFFFFFC0] =	vst v22;
	v22 =	vld.idx.msk [tilespmem:v30+s17+$0x0], $0xffff  }
0x1b3: {  	v26 =	vor.u32 v2, v11;
	v31 =	vld.idx.msk [tilespmem:v31+s17+$0x0], $0xffff;
	[tilespmem:s1+$0x60] =	vst v24  }
0x1b4: {  	v33 =	vor.u32 v4, v10;
	v16 =	vmov s12;
	v24 =	vmul.f32 $8.000000000e+00, v29;
	[tilespmem:s1+$0xFFFFFFE0] =	vst v23;
	v34 =	vld.idx.msk [tilespmem:v27+s17+$0x0], $0xffff  }
0x1b5: {  	v16 =	vand.u32 $0x7E, v16;
	v35 =	vor.u32 v4, v8;
	v23 =	vmul.f32 $8.000000000e+00, v28;
	v32 =	vld.idx.msk [tilespmem:v32+s17+$0x0], $0xffff;
	[tilespmem:s4+$0xFFFFFFF0] =	vst v19;
	s4 =	smov.u32 s1;
	s1 =	smov.u32 s16;
	s16 =	smov.u32 s6  }
0x1b6: {  	v36 =	vor.u32 v6, v12;
	v16 =	vbroadcast v16, $0x0;
	s6 =	smov.u32 s9;
	[tilespmem:s9+$0x10] =	vst v24;
	v24 =	vmul.f32 $8.000000000e+00, v21;
	v19 =	vld.idx.msk [tilespmem:v20+s17+$0x0], $0xffff  }
.Ltmp5:
0x1b7: {  	v17 =	vmul.f32 $8.000000000e+00, v17;
	[tilespmem:s9+$0xFFFFFF90] =	vst v23;
	v27 =	vld.idx.msk [tilespmem:v25+s17+$0x0], $0xffff;
	v23 =	vor.u32 v6, v9;
	(pc) =	sbr.rel @p1 .LBB2_11-.Ltmp5, $4  }
0x1b8: {  	v30 =	vor.u32 v0, v16;
	v20 =	vmul.f32 $8.000000000e+00, v22;
	v21 =	vld.idx.msk [tilespmem:v26+s17+$0x0], $0xffff;
	[tilespmem:s16+$0x30] =	vst v24  }
0x1b9: {  	v29 =	vor.u32 v1, v15;
	[tilespmem:s16+$0xFFFFFFB0] =	vst v17;
	v24 =	vld.idx.msk [tilespmem:v33+s17+$0x0], $0xffff;
	v17 =	vmul.f32 $8.000000000e+00, v31  }
0x1ba: {  	v28 =	vor.u32 v1, v14;
	v31 =	vmul.f32 $8.000000000e+00, v34;
	v22 =	vld.idx.msk [tilespmem:v35+s17+$0x0], $0xffff;
	[tilespmem:s1+$0x50] =	vst v20  }
0x1bb: {  	s28 =	sadd.s32 $0x1, s12;
	s12 =	sadd.s32 $0x2, s12;
	v25 =	vor.u32 v3, v13;
	v32 =	vmul.f32 $8.000000000e+00, v32;
	v20 =	vor.u32 v3, v11;
	[tilespmem:s1+$0xFFFFFFD0] =	vst v17;
	v26 =	vld.idx.msk [tilespmem:v36+s17+$0x0], $0xffff  }
0x1bc: {  	v17 =	vmov s28  }
0x1bd: {  	v17 =	vand.u32 $0x7F, v17  }
0x1be: {  	v17 =	vbroadcast v17, $0x0;
	_ =	sdelay $0x1  }
0x1bf: {  	v33 =	vor.u32 v0, v17;
	_ =	sdelay $0x4  }
0x1c0: {  	v33 =	vld.idx.msk [tilespmem:v33+s17+$0x0], $0xffff  }
0x1c1: {  	v30 =	vld.idx.msk [tilespmem:v30+s17+$0x0], $0xffff;
	_ =	sdelay $0x1  }
0x1c2: {  	v34 =	vor.u32 v1, v17  }
0x1c3: {  	v18 =	vmul.f32 $8.000000000e+00, v18;
	s9 =	sadd.s32 $0x100, s9;
	v35 =	vor.u32 v1, v16  }
0x1c4: {  	[tilespmem:s9+$0x0] =	vst v32;
	v59 =	vmul.f32 $8.000000000e+00, v33  }
0x1c5: {  	s12 =	sadd.s32 $0x100, s9;
	[tilespmem:s9+$0xFFFFFF80] =	vst v18;
	v18 =	vld.idx.msk [tilespmem:v29+s17+$0x0], $0xffff;
	v29 =	vmul.f32 $8.000000000e+00, v30  }
0x1c6: {  	v28 =	vld.idx.msk [tilespmem:v28+s17+$0x0], $0xffff;
	[tilespmem:s12+$0x0] =	vst v59  }
0x1c7: {  	[tilespmem:s12+$0xFFFFFF80] =	vst v29;
	v29 =	vld.idx.msk [tilespmem:v34+s17+$0x0], $0xffff  }
0x1c8: {  	v30 =	vor.u32 v2, v15;
	v60 =	vld.idx.msk [tilespmem:v35+s17+$0x0], $0xffff  }
0x1c9: {  	v27 =	vmul.f32 $8.000000000e+00, v27;
	v61 =	vor.u32 v2, v14  }
0x1ca: {  	[tilespmem:s4+$0x70] =	vst v31;
	v31 =	vor.u32 v2, v17;
	v18 =	vmul.f32 $8.000000000e+00, v18  }
0x1cb: {  	[tilespmem:s6+$0x20] =	vst v27;
	v27 =	vmul.f32 $8.000000000e+00, v28;
	v28 =	vor.u32 v2, v16  }
0x1cc: {  	[tilespmem:s9+$0x10] =	vst v18;
	v18 =	vmul.f32 $8.000000000e+00, v29  }
0x1cd: {  	[tilespmem:s9+$0xFFFFFF90] =	vst v27;
	v27 =	vld.idx.msk [tilespmem:v30+s17+$0x0], $0xffff;
	v29 =	vmul.f32 $8.000000000e+00, v60  }
0x1ce: {  	v21 =	vmul.f32 $8.000000000e+00, v21;
	v30 =	vld.idx.msk [tilespmem:v61+s17+$0x0], $0xffff;
	[tilespmem:s12+$0x10] =	vst v18  }
0x1cf: {  	v18 =	vmul.f32 $8.000000000e+00, v24;
	[tilespmem:s12+$0xFFFFFF90] =	vst v29;
	v24 =	vld.idx.msk [tilespmem:v31+s17+$0x0], $0xffff  }
0x1d0: {  	[tilespmem:s6+$0xFFFFFFA0] =	vst v21;
	v21 =	vmul.f32 $8.000000000e+00, v22;
	v22 =	vor.u32 v3, v15;
	v28 =	vld.idx.msk [tilespmem:v28+s17+$0x0], $0xffff  }
0x1d1: {  	v23 =	vld.idx.msk [tilespmem:v23+s17+$0x0], $0xffff;
	[tilespmem:s16+$0x40] =	vst v18;
	v18 =	vmul.f32 $8.000000000e+00, v26;
	v26 =	vor.u32 v3, v14  }
0x1d2: {  	[tilespmem:s16+$0xFFFFFFC0] =	vst v21;
	v21 =	vmul.f32 $8.000000000e+00, v27;
	v27 =	vor.u32 v3, v17  }
0x1d3: {  	v25 =	vld.idx.msk [tilespmem:v25+s17+$0x0], $0xffff;
	v29 =	vor.u32 v3, v16;
	[tilespmem:s1+$0x60] =	vst v18;
	v18 =	vmul.f32 $8.000000000e+00, v30  }
0x1d4: {  	v20 =	vld.idx.msk [tilespmem:v20+s17+$0x0], $0xffff;
	[tilespmem:s9+$0x20] =	vst v21;
	v30 =	vor.u32 v5, v10;
	v21 =	vmul.f32 $8.000000000e+00, v24  }
0x1d5: {  	v24 =	vor.u32 v5, v8;
	[tilespmem:s9+$0xFFFFFFA0] =	vst v18;
	v18 =	vld.idx.msk [tilespmem:v22+s17+$0x0], $0xffff;
	v22 =	vmul.f32 $8.000000000e+00, v28  }
0x1d6: {  	v23 =	vmul.f32 $8.000000000e+00, v23;
	v28 =	vor.u32 v4, v13;
	v26 =	vld.idx.msk [tilespmem:v26+s17+$0x0], $0xffff;
	[tilespmem:s12+$0x20] =	vst v21  }
0x1d7: {  	v19 =	vmul.f32 $8.000000000e+00, v19;
	v21 =	vor.u32 v4, v11;
	[tilespmem:s12+$0xFFFFFFA0] =	vst v22;
	v22 =	vld.idx.msk [tilespmem:v27+s17+$0x0], $0xffff  }
0x1d8: {  	[tilespmem:s1+$0xFFFFFFE0] =	vst v23;
	v23 =	vmul.f32 $8.000000000e+00, v25;
	v25 =	vor.u32 v4, v15;
	v27 =	vld.idx.msk [tilespmem:v29+s17+$0x0], $0xffff  }
0x1d9: {  	[tilespmem:s4+$0xFFFFFFF0] =	vst v19;
	v19 =	vmul.f32 $8.000000000e+00, v20;
	v20 =	vor.u32 v4, v14;
	v29 =	vld.idx.msk [tilespmem:v30+s17+$0x0], $0xffff  }
0x1da: {  	[tilespmem:s6+$0x30] =	vst v23;
	v23 =	vor.u32 v4, v17;
	v24 =	vld.idx.msk [tilespmem:v24+s17+$0x0], $0xffff;
	v18 =	vmul.f32 $8.000000000e+00, v18  }
0x1db: {  	[tilespmem:s6+$0xFFFFFFB0] =	vst v19;
	v19 =	vld.idx.msk [tilespmem:v28+s17+$0x0], $0xffff;
	v28 =	vor.u32 v4, v16;
	v26 =	vmul.f32 $8.000000000e+00, v26  }
0x1dc: {  	v12 =	vor.u32 v7, v12;
	v21 =	vld.idx.msk [tilespmem:v21+s17+$0x0], $0xffff;
	[tilespmem:s9+$0x30] =	vst v18;
	v18 =	vmul.f32 $8.000000000e+00, v22  }
0x1dd: {  	v22 =	vor.u32 v6, v10;
	[tilespmem:s9+$0xFFFFFFB0] =	vst v26;
	v25 =	vld.idx.msk [tilespmem:v25+s17+$0x0], $0xffff;
	v26 =	vmul.f32 $8.000000000e+00, v27  }
0x1de: {  	v27 =	vmul.f32 $8.000000000e+00, v29;
	v29 =	vor.u32 v5, v13;
	v20 =	vld.idx.msk [tilespmem:v20+s17+$0x0], $0xffff;
	[tilespmem:s12+$0x30] =	vst v18  }
0x1df: {  	v18 =	vmul.f32 $8.000000000e+00, v24;
	v24 =	vor.u32 v5, v11;
	[tilespmem:s12+$0xFFFFFFB0] =	vst v26;
	v23 =	vld.idx.msk [tilespmem:v23+s17+$0x0], $0xffff  }
0x1e0: {  	[tilespmem:s16+$0x50] =	vst v27;
	v19 =	vmul.f32 $8.000000000e+00, v19;
	v26 =	vor.u32 v5, v15;
	v27 =	vld.idx.msk [tilespmem:v28+s17+$0x0], $0xffff  }
0x1e1: {  	v12 =	vld.idx.msk [tilespmem:v12+s17+$0x0], $0xffff;
	[tilespmem:s16+$0xFFFFFFD0] =	vst v18;
	v18 =	vmul.f32 $8.000000000e+00, v21;
	v21 =	vor.u32 v5, v14  }
0x1e2: {  	[tilespmem:s6+$0x40] =	vst v19;
	v22 =	vld.idx.msk [tilespmem:v22+s17+$0x0], $0xffff;
	v19 =	vmul.f32 $8.000000000e+00, v25;
	v25 =	vor.u32 v5, v17  }
0x1e3: {  	v28 =	vor.u32 v5, v16;
	[tilespmem:s6+$0xFFFFFFC0] =	vst v18;
	v18 =	vld.idx.msk [tilespmem:v29+s17+$0x0], $0xffff;
	v20 =	vmul.f32 $8.000000000e+00, v20  }
0x1e4: {  	v9 =	vor.u32 v7, v9;
	v24 =	vld.idx.msk [tilespmem:v24+s17+$0x0], $0xffff;
	[tilespmem:s9+$0x40] =	vst v19;
	v19 =	vmul.f32 $8.000000000e+00, v23  }
0x1e5: {  	v29 =	vor.u32 v6, v8;
	[tilespmem:s9+$0xFFFFFFC0] =	vst v20;
	v20 =	vld.idx.msk [tilespmem:v26+s17+$0x0], $0xffff;
	v23 =	vmul.f32 $8.000000000e+00, v27  }
0x1e6: {  	v12 =	vmul.f32 $8.000000000e+00, v12;
	v26 =	vor.u32 v6, v13;
	v21 =	vld.idx.msk [tilespmem:v21+s17+$0x0], $0xffff;
	[tilespmem:s12+$0x40] =	vst v19  }
0x1e7: {  	v19 =	vmul.f32 $8.000000000e+00, v22;
	v22 =	vor.u32 v6, v11;
	[tilespmem:s12+$0xFFFFFFC0] =	vst v23;
	v23 =	vld.idx.msk [tilespmem:v25+s17+$0x0], $0xffff  }
0x1e8: {  	[tilespmem:s1+$0x70] =	vst v12;
	v12 =	vmul.f32 $8.000000000e+00, v18;
	v18 =	vor.u32 v6, v15;
	v25 =	vld.idx.msk [tilespmem:v28+s17+$0x0], $0xffff  }
0x1e9: {  	v9 =	vld.idx.msk [tilespmem:v9+s17+$0x0], $0xffff;
	[tilespmem:s16+$0x60] =	vst v19;
	v19 =	vmul.f32 $8.000000000e+00, v24;
	v24 =	vor.u32 v6, v14  }
0x1ea: {  	v27 =	vld.idx.msk [tilespmem:v29+s17+$0x0], $0xffff;
	[tilespmem:s6+$0x50] =	vst v12;
	v12 =	vmul.f32 $8.000000000e+00, v20;
	v20 =	vor.u32 v6, v17  }
0x1eb: {  	[tilespmem:s6+$0xFFFFFFD0] =	vst v19;
	v19 =	vld.idx.msk [tilespmem:v26+s17+$0x0], $0xffff;
	v21 =	vmul.f32 $8.000000000e+00, v21;
	v26 =	vor.u32 v6, v16  }
0x1ec: {  	v10 =	vor.u32 v7, v10;
	v22 =	vld.idx.msk [tilespmem:v22+s17+$0x0], $0xffff;
	[tilespmem:s9+$0x50] =	vst v12;
	v12 =	vmul.f32 $8.000000000e+00, v23  }
0x1ed: {  	v8 =	vor.u32 v7, v8;
	[tilespmem:s9+$0xFFFFFFD0] =	vst v21;
	v18 =	vld.idx.msk [tilespmem:v18+s17+$0x0], $0xffff;
	v21 =	vmul.f32 $8.000000000e+00, v25  }
0x1ee: {  	v9 =	vmul.f32 $8.000000000e+00, v9;
	v13 =	vor.u32 v7, v13;
	v24 =	vld.idx.msk [tilespmem:v24+s17+$0x0], $0xffff;
	[tilespmem:s12+$0x50] =	vst v12  }
0x1ef: {  	v11 =	vor.u32 v7, v11;
	v23 =	vmul.f32 $8.000000000e+00, v27;
	[tilespmem:s12+$0xFFFFFFD0] =	vst v21;
	v12 =	vld.idx.msk [tilespmem:v20+s17+$0x0], $0xffff  }
0x1f0: {  	[tilespmem:s1+$0xFFFFFFF0] =	vst v9;
	v15 =	vor.u32 v7, v15;
	v19 =	vmul.f32 $8.000000000e+00, v19;
	v20 =	vld.idx.msk [tilespmem:v26+s17+$0x0], $0xffff  }
0x1f1: {  	v14 =	vor.u32 v7, v14;
	v10 =	vld.idx.msk [tilespmem:v10+s17+$0x0], $0xffff;
	[tilespmem:s16+$0xFFFFFFE0] =	vst v23;
	v9 =	vmul.f32 $8.000000000e+00, v22  }
0x1f2: {  	v17 =	vor.u32 v7, v17;
	v8 =	vld.idx.msk [tilespmem:v8+s17+$0x0], $0xffff;
	[tilespmem:s6+$0x60] =	vst v19;
	v18 =	vmul.f32 $8.000000000e+00, v18  }
0x1f3: {  	v16 =	vor.u32 v7, v16;
	[tilespmem:s6+$0xFFFFFFE0] =	vst v9;
	v9 =	vld.idx.msk [tilespmem:v13+s17+$0x0], $0xffff;
	v13 =	vmul.f32 $8.000000000e+00, v24  }
0x1f4: {  	v11 =	vld.idx.msk [tilespmem:v11+s17+$0x0], $0xffff;
	[tilespmem:s9+$0x60] =	vst v18;
	v12 =	vmul.f32 $8.000000000e+00, v12  }
0x1f5: {  	[tilespmem:s9+$0xFFFFFFE0] =	vst v13;
	v13 =	vld.idx.msk [tilespmem:v15+s17+$0x0], $0xffff;
	v15 =	vmul.f32 $8.000000000e+00, v20  }
0x1f6: {  	v10 =	vmul.f32 $8.000000000e+00, v10;
	v14 =	vld.idx.msk [tilespmem:v14+s17+$0x0], $0xffff;
	[tilespmem:s12+$0x60] =	vst v12  }
0x1f7: {  	v8 =	vmul.f32 $8.000000000e+00, v8;
	[tilespmem:s12+$0xFFFFFFE0] =	vst v15;
	v12 =	vld.idx.msk [tilespmem:v17+s17+$0x0], $0xffff  }
0x1f8: {  	[tilespmem:s16+$0x70] =	vst v10;
	v9 =	vmul.f32 $8.000000000e+00, v9;
	v10 =	vld.idx.msk [tilespmem:v16+s17+$0x0], $0xffff  }
0x1f9: {  	[tilespmem:s16+$0xFFFFFFF0] =	vst v8;
	v8 =	vmul.f32 $8.000000000e+00, v11  }
0x1fa: {  	[tilespmem:s6+$0x70] =	vst v9;
	v9 =	vmul.f32 $8.000000000e+00, v13  }
0x1fb: {  	[tilespmem:s6+$0xFFFFFFF0] =	vst v8;
	v8 =	vmul.f32 $8.000000000e+00, v14  }
0x1fc: {  	[tilespmem:s9+$0x70] =	vst v9;
	v9 =	vmul.f32 $8.000000000e+00, v12  }
0x1fd: {  	[tilespmem:s9+$0xFFFFFFF0] =	vst v8;
	v8 =	vmul.f32 $8.000000000e+00, v10  }
0x1fe: {  	[tilespmem:s12+$0x70] =	vst v9  }
0x1ff: {  	s16 =	simm.s32 $0x0;
	s9 =	sadd.s32 s31, s8;
	[tilespmem:s12+$0xFFFFFFF0] =	vst v8;
	s12 =	simm.s32 $0x1  }
0x200: {  	[hbm4b:s9+s10] =	stream.strided.scatter [tilespmem:s20], [sflag:$0x5], $0x2000, s11, s10, $0x38;
	v8 =	vmov s12;
	[tilespmem:$0x1A400] =	vst v63  }
0x201: {  	s0 =	sadd.s32 @!p0 $0x300, s0;
	s1 =	simm.s32 @!p0 $0x80;
	s6 =	simm.s32 @!p0 $0xE400;
	v9 =	vmov s16;
	v8 =	vand.u32 $0x7F, v8  }
0x202: {  	v9 =	vand.u32 $0x7E, v9;
	[tilespmem:s6], [sflag:$0x3] =	stream.indirect.gather @!p0 [hbm4b:s2+s1], $0x80, s0, s1, $0xb8;
	v17 =	vbroadcast v8, $0x0;
	[tilespmem:$0x1A400] =	vst v63  }
0x203: {  	v16 =	vbroadcast v9, $0x0;
	_ =	swait.ge [sflag:s26], $0x4000  }
0x204: {  	[sflag:s26] =	ssyncset.done $0x0;
	v8 =	vor.u32 v0, v17  }
0x205: {  	v9 =	vor.u32 v0, v16;
	[sflag:s26] =	ssyncadd.s32 $0xFFFFC000  }
0x206: {  	_ =	swait.ge [sflag:s22], $0x2000  }
0x207: {  	[sflag:s22] =	ssyncset.done $0x0  }
0x208: {  	[sflag:s22] =	ssyncadd.s32 $0xFFFFE000  }
0x209: {  	v8 =	vld.idx.msk [tilespmem:v8+s18+$0x0], $0xffff  }
0x20a: {  	v9 =	vld.idx.msk [tilespmem:v9+s18+$0x0], $0xffff;
	_ =	sdelay $0x1  }
0x20b: {  	v10 =	vor.u32 v1, v17  }
0x20c: {  	s28 =	simm.s32 $0x3;
	v11 =	vor.u32 v1, v16  }
0x20d: {  	s31 =	simm.s32 $0x2;
	v12 =	vmov s28;
	v8 =	vmul.f32 $8.000000000e+00, v8  }
0x20e: {  	s4 =	simm.s32 $0x18480;
	v13 =	vmov s31;
	v14 =	vmul.f32 $8.000000000e+00, v9;
	v9 =	vand.u32 $0x7F, v12  }
0x20f: {  	v13 =	vand.u32 $0x7E, v13;
	v12 =	vbroadcast v9, $0x0;
	[tilespmem:s4+$0x0] =	vst v8  }
0x210: {  	v9 =	vbroadcast v13, $0x0;
	[tilespmem:s4+$0xFFFFFF80] =	vst v14;
	v8 =	vld.idx.msk [tilespmem:v10+s18+$0x0], $0xffff  }
0x211: {  	v10 =	vld.idx.msk [tilespmem:v11+s18+$0x0], $0xffff;
	v11 =	vor.u32 v0, v12  }
0x212: {  	v13 =	vor.u32 v0, v9  }
0x213: {  	v14 =	vor.u32 v2, v17  }
0x214: {  	v15 =	vor.u32 v2, v16  }
0x215: {  	v8 =	vmul.f32 $8.000000000e+00, v8  }
0x216: {  	v11 =	vld.idx.msk [tilespmem:v11+s18+$0x0], $0xffff;
	v10 =	vmul.f32 $8.000000000e+00, v10  }
0x217: {  	v13 =	vld.idx.msk [tilespmem:v13+s18+$0x0], $0xffff;
	[tilespmem:s4+$0x10] =	vst v8  }
0x218: {  	[tilespmem:s4+$0xFFFFFF90] =	vst v10;
	v8 =	vld.idx.msk [tilespmem:v14+s18+$0x0], $0xffff  }
0x219: {  	s6 =	simm.s32 $0x5;
	v14 =	vld.idx.msk [tilespmem:v15+s18+$0x0], $0xffff;
	v15 =	vor.u32 v1, v12  }
0x21a: {  	v20 =	vmov s6;
	v18 =	vor.u32 v1, v9  }
0x21b: {  	s1 =	simm.s32 $0x4;
	v21 =	vor.u32 v3, v16;
	v19 =	vor.u32 v3, v17;
	v11 =	vmul.f32 $8.000000000e+00, v11  }
0x21c: {  	s0 =	simm.s32 $0x18580;
	v20 =	vand.u32 $0x7F, v20;
	v10 =	vmov s1;
	v13 =	vmul.f32 $8.000000000e+00, v13  }
0x21d: {  	v22 =	vand.u32 $0x7E, v10;
	v10 =	vbroadcast v20, $0x0;
	[tilespmem:s0+$0x0] =	vst v11;
	v11 =	vmul.f32 $8.000000000e+00, v8  }
0x21e: {  	[tilespmem:s0+$0xFFFFFF80] =	vst v13;
	v8 =	vbroadcast v22, $0x0;
	v13 =	vld.idx.msk [tilespmem:v15+s18+$0x0], $0xffff;
	v14 =	vmul.f32 $8.000000000e+00, v14  }
0x21f: {  	v15 =	vld.idx.msk [tilespmem:v18+s18+$0x0], $0xffff;
	[tilespmem:s4+$0x20] =	vst v11;
	v11 =	vor.u32 v0, v10  }
0x220: {  	v18 =	vor.u32 v0, v8;
	[tilespmem:s4+$0xFFFFFFA0] =	vst v14;
	v14 =	vld.idx.msk [tilespmem:v19+s18+$0x0], $0xffff  }
0x221: {  	v20 =	vor.u32 v2, v12;
	v19 =	vld.idx.msk [tilespmem:v21+s18+$0x0], $0xffff  }
0x222: {  	v21 =	vor.u32 v2, v9  }
0x223: {  	v22 =	vor.u32 v4, v17;
	v13 =	vmul.f32 $8.000000000e+00, v13  }
0x224: {  	v23 =	vld.idx.msk [tilespmem:v11+s18+$0x0], $0xffff;
	v11 =	vmul.f32 $8.000000000e+00, v15;
	v15 =	vor.u32 v4, v16  }
0x225: {  	v18 =	vld.idx.msk [tilespmem:v18+s18+$0x0], $0xffff;
	[tilespmem:s0+$0x10] =	vst v13;
	v13 =	vmul.f32 $8.000000000e+00, v14  }
0x226: {  	s9 =	simm.s32 $0x6;
	v14 =	vld.idx.msk [tilespmem:v20+s18+$0x0], $0xffff;
	[tilespmem:s0+$0xFFFFFF90] =	vst v11;
	v11 =	vmul.f32 $8.000000000e+00, v19  }
0x227: {  	v19 =	vmov s9;
	v20 =	vld.idx.msk [tilespmem:v21+s18+$0x0], $0xffff;
	[tilespmem:s4+$0x30] =	vst v13;
	v21 =	vor.u32 v1, v10  }
0x228: {  	v13 =	vand.u32 $0x7E, v19;
	[tilespmem:s4+$0xFFFFFFB0] =	vst v11;
	v19 =	vld.idx.msk [tilespmem:v22+s18+$0x0], $0xffff;
	v22 =	vor.u32 v1, v8  }
0x229: {  	s12 =	simm.s32 $0x7;
	v11 =	vbroadcast v13, $0x0;
	v15 =	vld.idx.msk [tilespmem:v15+s18+$0x0], $0xffff;
	v13 =	vmul.f32 $8.000000000e+00, v23;
	v23 =	vor.u32 v3, v12  }
0x22a: {  	v25 =	vmov s12;
	v24 =	vor.u32 v3, v9;
	s1 =	simm.s32 $0x18680;
	v18 =	vmul.f32 $8.000000000e+00, v18  }
0x22b: {  	v25 =	vand.u32 $0x7F, v25;
	v26 =	vor.u32 v5, v17;
	v14 =	vmul.f32 $8.000000000e+00, v14;
	[tilespmem:s1+$0x0] =	vst v13  }
0x22c: {  	v13 =	vbroadcast v25, $0x0;
	[tilespmem:s1+$0xFFFFFF80] =	vst v18;
	v25 =	vor.u32 v0, v11;
	v18 =	vld.idx.msk [tilespmem:v21+s18+$0x0], $0xffff;
	v20 =	vmul.f32 $8.000000000e+00, v20  }
0x22d: {  	v21 =	vor.u32 v5, v16;
	[tilespmem:s0+$0x20] =	vst v14;
	v22 =	vld.idx.msk [tilespmem:v22+s18+$0x0], $0xffff;
	v14 =	vmul.f32 $8.000000000e+00, v19  }
0x22e: {  	v19 =	vor.u32 v0, v13;
	[tilespmem:s0+$0xFFFFFFA0] =	vst v20;
	v20 =	vld.idx.msk [tilespmem:v23+s18+$0x0], $0xffff;
	v15 =	vmul.f32 $8.000000000e+00, v15  }
0x22f: {  	s16 =	simm.s32 $0x8;
	v23 =	vld.idx.msk [tilespmem:v24+s18+$0x0], $0xffff;
	[tilespmem:s4+$0x40] =	vst v14;
	v24 =	vor.u32 v2, v10  }
0x230: {  	v14 =	vmov s16;
	[tilespmem:s4+$0xFFFFFFC0] =	vst v15;
	v15 =	vld.idx.msk [tilespmem:v26+s18+$0x0], $0xffff;
	v26 =	vor.u32 v2, v8  }
0x231: {  	v27 =	vor.u32 v4, v12;
	v25 =	vld.idx.msk [tilespmem:v25+s18+$0x0], $0xffff;
	v14 =	vand.u32 $0x7E, v14;
	v18 =	vmul.f32 $8.000000000e+00, v18  }
0x232: {  	v28 =	vor.u32 v4, v9;
	v21 =	vld.idx.msk [tilespmem:v21+s18+$0x0], $0xffff;
	v14 =	vbroadcast v14, $0x0;
	v22 =	vmul.f32 $8.000000000e+00, v22  }
0x233: {  	v19 =	vld.idx.msk [tilespmem:v19+s18+$0x0], $0xffff;
	[tilespmem:s1+$0x10] =	vst v18;
	v18 =	vmul.f32 $8.000000000e+00, v20;
	v20 =	vor.u32 v6, v17  }
0x234: {  	v29 =	vor.u32 v0, v14;
	[tilespmem:s1+$0xFFFFFF90] =	vst v22;
	v22 =	vld.idx.msk [tilespmem:v24+s18+$0x0], $0xffff;
	v23 =	vmul.f32 $8.000000000e+00, v23  }
0x235: {  	v24 =	vor.u32 v6, v16;
	v26 =	vld.idx.msk [tilespmem:v26+s18+$0x0], $0xffff;
	[tilespmem:s0+$0x30] =	vst v18;
	v15 =	vmul.f32 $8.000000000e+00, v15  }
0x236: {  	v30 =	vor.u32 v1, v13;
	[tilespmem:s0+$0xFFFFFFB0] =	vst v23;
	v23 =	vld.idx.msk [tilespmem:v27+s18+$0x0], $0xffff  }
0x237: {  	v18 =	vmul.f32 $8.000000000e+00, v21;
	v21 =	vor.u32 v1, v11;
	v27 =	vld.idx.msk [tilespmem:v28+s18+$0x0], $0xffff;
	[tilespmem:s4+$0x50] =	vst v15  }
0x238: {  	s28 =	simm.s32 $0x9;
	v15 =	vmul.f32 $8.000000000e+00, v19;
	v19 =	vor.u32 v3, v10;
	v20 =	vld.idx.msk [tilespmem:v20+s18+$0x0], $0xffff  }
0x239: {  	v31 =	vmov s28;
	s9 =	simm.s32 $0x18780;
	v25 =	vmul.f32 $8.000000000e+00, v25;
	v28 =	vor.u32 v3, v8;
	[tilespmem:s4+$0xFFFFFFD0] =	vst v18;
	v18 =	vld.idx.msk [tilespmem:v29+s18+$0x0], $0xffff  }
0x23a: {  	v29 =	vand.u32 $0x7F, v31;
	v31 =	vor.u32 v5, v12;
	v24 =	vld.idx.msk [tilespmem:v24+s18+$0x0], $0xffff;
	[tilespmem:s9+$0x0] =	vst v15;
	v22 =	vmul.f32 $8.000000000e+00, v22  }
0x23b: {  	[tilespmem:s9+$0xFFFFFF80] =	vst v25;
	v15 =	vbroadcast v29, $0x0;
	v29 =	vor.u32 v5, v9;
	v25 =	vld.idx.msk [tilespmem:v30+s18+$0x0], $0xffff;
	v26 =	vmul.f32 $8.000000000e+00, v26  }
0x23c: {  	v17 =	vor.u32 v7, v17;
	v21 =	vld.idx.msk [tilespmem:v21+s18+$0x0], $0xffff;
	[tilespmem:s1+$0x20] =	vst v22;
	v22 =	vmul.f32 $8.000000000e+00, v23  }
0x23d: {  	v23 =	vor.u32 v0, v15;
	[tilespmem:s1+$0xFFFFFFA0] =	vst v26;
	v19 =	vld.idx.msk [tilespmem:v19+s18+$0x0], $0xffff;
	v26 =	vmul.f32 $8.000000000e+00, v27  }
0x23e: {  	v16 =	vor.u32 v7, v16;
	v28 =	vld.idx.msk [tilespmem:v28+s18+$0x0], $0xffff;
	[tilespmem:s0+$0x40] =	vst v22;
	v20 =	vmul.f32 $8.000000000e+00, v20  }
0x23f: {  	v22 =	vor.u32 v2, v13;
	[tilespmem:s0+$0xFFFFFFC0] =	vst v26;
	v26 =	vld.idx.msk [tilespmem:v31+s18+$0x0], $0xffff  }
0x240: {  	s31 =	simm.s32 $0xA;
	v30 =	vor.u32 v2, v11;
	v24 =	vmul.f32 $8.000000000e+00, v24;
	v29 =	vld.idx.msk [tilespmem:v29+s18+$0x0], $0xffff;
	[tilespmem:s4+$0x60] =	vst v20  }
0x241: {  	v27 =	vmov s31;
	v20 =	vmul.f32 $8.000000000e+00, v25;
	v25 =	vor.u32 v4, v10;
	v17 =	vld.idx.msk [tilespmem:v17+s18+$0x0], $0xffff  }
0x242: {  	v31 =	vor.u32 v4, v8;
	[tilespmem:s4+$0xFFFFFFE0] =	vst v24;
	v62 =	vld.idx.msk [tilespmem:v23+s18+$0x0], $0xffff;
	v21 =	vmul.f32 $8.000000000e+00, v21;
	v23 =	vand.u32 $0x7E, v27  }
0x243: {  	v63 =	vor.u32 v6, v12;
	[tilespmem:s9+$0x10] =	vst v20;
	v20 =	vmul.f32 $8.000000000e+00, v19;
	v19 =	vld.idx.msk [tilespmem:v16+s18+$0x0], $0xffff;
	v16 =	vbroadcast v23, $0x0  }
0x244: {  	v23 =	vor.u32 v6, v9;
	[tilespmem:s9+$0xFFFFFF90] =	vst v21;
	v27 =	vld.idx.msk [tilespmem:v22+s18+$0x0], $0xffff;
	v22 =	vmul.f32 $8.000000000e+00, v28  }
0x245: {  	v21 =	vld.idx.msk [tilespmem:v30+s18+$0x0], $0xffff;
	[tilespmem:s1+$0x30] =	vst v20;
	v20 =	vmul.f32 $8.000000000e+00, v26;
	v30 =	vor.u32 v0, v16  }
0x246: {  	[tilespmem:s1+$0xFFFFFFB0] =	vst v22;
	v24 =	vld.idx.msk [tilespmem:v25+s18+$0x0], $0xffff;
	v26 =	vmul.f32 $8.000000000e+00, v29;
	v29 =	vor.u32 v1, v15  }
0x247: {  	v28 =	vor.u32 v1, v14;
	v22 =	vld.idx.msk [tilespmem:v31+s18+$0x0], $0xffff;
	[tilespmem:s0+$0x50] =	vst v20;
	v31 =	vmul.f32 $8.000000000e+00, v17  }
0x248: {  	s12 =	simm.s32 $0xC;
	s6 =	simm.s32 $0x18780;
	s16 =	simm.s32 $0xB;
	v25 =	vor.u32 v3, v13;
	v32 =	vmul.f32 $8.000000000e+00, v62;
	v20 =	vor.u32 v3, v11;
	[tilespmem:s0+$0xFFFFFFD0] =	vst v26;
	v26 =	vld.idx.msk [tilespmem:v63+s18+$0x0], $0xffff  }
.LBB2_13:
0x249: {  	p0 =	slt.u32 s12, $0x3E;
	v17 =	vmov s16;
	v33 =	vmul.f32 $8.000000000e+00, v18;
	s9 =	sadd.s32 $0x100, s9;
	v23 =	vld.idx.msk [tilespmem:v23+s18+$0x0], $0xffff;
	v19 =	vmul.f32 $8.000000000e+00, v19;
	[tilespmem:s4+$0x70] =	vst v31  }
0x24a: {  	v27 =	vmul.f32 $8.000000000e+00, v27;
	v18 =	vld.idx.msk [tilespmem:v30+s18+$0x0], $0xffff;
	v17 =	vand.u32 $0x7F, v17;
	[tilespmem:s9+$0x0] =	vst v32;
	v30 =	vor.u32 v5, v10  }
0x24b: {  	v31 =	vor.u32 v5, v8;
	v21 =	vmul.f32 $8.000000000e+00, v21;
	v17 =	vbroadcast v17, $0x0;
	[tilespmem:s9+$0xFFFFFF80] =	vst v33;
	v29 =	vld.idx.msk [tilespmem:v29+s18+$0x0], $0xffff  }
0x24c: {  	v24 =	vmul.f32 $8.000000000e+00, v24;
	v28 =	vld.idx.msk [tilespmem:v28+s18+$0x0], $0xffff;
	[tilespmem:s6+$0x20] =	vst v27;
	v27 =	vor.u32 v7, v12;
	v12 =	vmovc v10;
	v10 =	vmov v13  }
0x24d: {  	v22 =	vmul.f32 $8.000000000e+00, v22;
	v13 =	vmovc v15;
	v32 =	vor.u32 v0, v17;
	[tilespmem:s6+$0xFFFFFFA0] =	vst v21;
	v21 =	vld.idx.msk [tilespmem:v25+s18+$0x0], $0xffff;
	v15 =	vmov v17  }
0x24e: {  	v17 =	vld.idx.msk [tilespmem:v20+s18+$0x0], $0xffff;
	[tilespmem:s1+$0x40] =	vst v24;
	v20 =	vor.u32 v7, v9;
	v24 =	vmul.f32 $8.000000000e+00, v26;
	v9 =	vmovc v8;
	v8 =	vmov v11  }
0x24f: {  	v25 =	vor.u32 v2, v13;
	v23 =	vmul.f32 $8.000000000e+00, v23;
	v11 =	vmovc v14;
	v14 =	vmov v16;
	[tilespmem:s1+$0xFFFFFFC0] =	vst v22;
	v22 =	vld.idx.msk [tilespmem:v30+s18+$0x0], $0xffff  }
0x250: {  	v26 =	vor.u32 v2, v11;
	v31 =	vld.idx.msk [tilespmem:v31+s18+$0x0], $0xffff;
	[tilespmem:s0+$0x60] =	vst v24  }
0x251: {  	v33 =	vor.u32 v4, v10;
	v16 =	vmov s12;
	v24 =	vmul.f32 $8.000000000e+00, v29;
	[tilespmem:s0+$0xFFFFFFE0] =	vst v23;
	v34 =	vld.idx.msk [tilespmem:v27+s18+$0x0], $0xffff  }
0x252: {  	v16 =	vand.u32 $0x7E, v16;
	v35 =	vor.u32 v4, v8;
	v23 =	vmul.f32 $8.000000000e+00, v28;
	v32 =	vld.idx.msk [tilespmem:v32+s18+$0x0], $0xffff;
	[tilespmem:s4+$0xFFFFFFF0] =	vst v19;
	s4 =	smov.u32 s0;
	s0 =	smov.u32 s1;
	s1 =	smov.u32 s6  }
0x253: {  	v36 =	vor.u32 v6, v12;
	v16 =	vbroadcast v16, $0x0;
	s6 =	smov.u32 s9;
	[tilespmem:s9+$0x10] =	vst v24;
	v24 =	vmul.f32 $8.000000000e+00, v21;
	v19 =	vld.idx.msk [tilespmem:v20+s18+$0x0], $0xffff  }
.Ltmp6:
0x254: {  	v17 =	vmul.f32 $8.000000000e+00, v17;
	[tilespmem:s9+$0xFFFFFF90] =	vst v23;
	v27 =	vld.idx.msk [tilespmem:v25+s18+$0x0], $0xffff;
	v23 =	vor.u32 v6, v9;
	(pc) =	sbr.rel @p0 .LBB2_13-.Ltmp6, $4  }
0x255: {  	v30 =	vor.u32 v0, v16;
	v20 =	vmul.f32 $8.000000000e+00, v22;
	v21 =	vld.idx.msk [tilespmem:v26+s18+$0x0], $0xffff;
	[tilespmem:s1+$0x30] =	vst v24  }
0x256: {  	v29 =	vor.u32 v1, v15;
	[tilespmem:s1+$0xFFFFFFB0] =	vst v17;
	v24 =	vld.idx.msk [tilespmem:v33+s18+$0x0], $0xffff;
	v17 =	vmul.f32 $8.000000000e+00, v31  }
0x257: {  	v28 =	vor.u32 v1, v14;
	v31 =	vmul.f32 $8.000000000e+00, v34;
	v22 =	vld.idx.msk [tilespmem:v35+s18+$0x0], $0xffff;
	[tilespmem:s0+$0x50] =	vst v20  }
0x258: {  	s16 =	sadd.s32 $0x1, s12;
	s12 =	sadd.s32 $0x2, s12;
	v25 =	vor.u32 v3, v13;
	v32 =	vmul.f32 $8.000000000e+00, v32;
	v20 =	vor.u32 v3, v11;
	[tilespmem:s0+$0xFFFFFFD0] =	vst v17;
	v26 =	vld.idx.msk [tilespmem:v36+s18+$0x0], $0xffff  }
0x259: {  	v17 =	vmov s16  }
0x25a: {  	v17 =	vand.u32 $0x7F, v17  }
0x25b: {  	v17 =	vbroadcast v17, $0x0;
	_ =	sdelay $0x1  }
0x25c: {  	v33 =	vor.u32 v0, v17;
	_ =	sdelay $0x3  }
0x25d: {  	v30 =	vld.idx.msk [tilespmem:v30+s18+$0x0], $0xffff  }
0x25e: {  	v33 =	vld.idx.msk [tilespmem:v33+s18+$0x0], $0xffff;
	_ =	sdelay $0x1  }
0x25f: {  	v18 =	vmul.f32 $8.000000000e+00, v18;
	v35 =	vor.u32 v1, v16  }
0x260: {  	s28 =	sadd.s32 $0x100, s9;
	v34 =	vor.u32 v1, v17  }
0x261: {  	[tilespmem:s28+$0xFFFFFF80] =	vst v18;
	v40 =	vmul.f32 $8.000000000e+00, v30  }
0x262: {  	[tilespmem:s28+$0x0] =	vst v32;
	s9 =	sadd.s32 $0x100, s28;
	v28 =	vld.idx.msk [tilespmem:v28+s18+$0x0], $0xffff;
	v38 =	vmul.f32 $8.000000000e+00, v33  }
0x263: {  	v39 =	vld.idx.msk [tilespmem:v29+s18+$0x0], $0xffff;
	[tilespmem:s9+$0xFFFFFF80] =	vst v40  }
0x264: {  	v43 =	vld.idx.msk [tilespmem:v35+s18+$0x0], $0xffff;
	[tilespmem:s9+$0x0] =	vst v38  }
0x265: {  	v44 =	vor.u32 v2, v14;
	v41 =	vld.idx.msk [tilespmem:v34+s18+$0x0], $0xffff  }
0x266: {  	v42 =	vor.u32 v2, v15;
	v27 =	vmul.f32 $8.000000000e+00, v27  }
0x267: {  	[tilespmem:s4+$0x70] =	vst v31;
	v47 =	vor.u32 v2, v16;
	v46 =	vmul.f32 $8.000000000e+00, v28  }
0x268: {  	[tilespmem:s6+$0x20] =	vst v27;
	v45 =	vor.u32 v2, v17;
	v18 =	vmul.f32 $8.000000000e+00, v39  }
0x269: {  	[tilespmem:s28+$0xFFFFFF90] =	vst v46;
	v50 =	vmul.f32 $8.000000000e+00, v43  }
0x26a: {  	[tilespmem:s28+$0x10] =	vst v18;
	v51 =	vld.idx.msk [tilespmem:v44+s18+$0x0], $0xffff;
	v48 =	vmul.f32 $8.000000000e+00, v41  }
0x26b: {  	v19 =	vmul.f32 $8.000000000e+00, v19;
	v49 =	vld.idx.msk [tilespmem:v42+s18+$0x0], $0xffff;
	[tilespmem:s9+$0xFFFFFF90] =	vst v50  }
0x26c: {  	v21 =	vmul.f32 $8.000000000e+00, v21;
	v32 =	vor.u32 v5, v8;
	v28 =	vld.idx.msk [tilespmem:v47+s18+$0x0], $0xffff;
	[tilespmem:s9+$0x10] =	vst v48  }
0x26d: {  	v57 =	vor.u32 v3, v14;
	v52 =	vmul.f32 $8.000000000e+00, v24;
	[tilespmem:s4+$0xFFFFFFF0] =	vst v19;
	v53 =	vld.idx.msk [tilespmem:v45+s18+$0x0], $0xffff  }
0x26e: {  	v55 =	vor.u32 v3, v15;
	v23 =	vld.idx.msk [tilespmem:v23+s18+$0x0], $0xffff;
	[tilespmem:s6+$0xFFFFFFA0] =	vst v21;
	v54 =	vmul.f32 $8.000000000e+00, v22  }
0x26f: {  	v61 =	vor.u32 v3, v16;
	v25 =	vld.idx.msk [tilespmem:v25+s18+$0x0], $0xffff;
	[tilespmem:s1+$0x40] =	vst v52;
	v60 =	vmul.f32 $8.000000000e+00, v51  }
0x270: {  	v59 =	vor.u32 v3, v17;
	v20 =	vld.idx.msk [tilespmem:v20+s18+$0x0], $0xffff;
	[tilespmem:s1+$0xFFFFFFC0] =	vst v54;
	v58 =	vmul.f32 $8.000000000e+00, v49  }
0x271: {  	v12 =	vor.u32 v7, v12;
	v24 =	vld.idx.msk [tilespmem:v32+s18+$0x0], $0xffff;
	[tilespmem:s28+$0xFFFFFFA0] =	vst v60;
	v34 =	vmul.f32 $8.000000000e+00, v28  }
0x272: {  	v62 =	vor.u32 v5, v10;
	v56 =	vmul.f32 $8.000000000e+00, v26;
	[tilespmem:s28+$0x20] =	vst v58;
	v26 =	vld.idx.msk [tilespmem:v57+s18+$0x0], $0xffff;
	v63 =	vmul.f32 $8.000000000e+00, v53  }
0x273: {  	v36 =	vor.u32 v4, v11;
	v33 =	vld.idx.msk [tilespmem:v55+s18+$0x0], $0xffff;
	[tilespmem:s9+$0xFFFFFFA0] =	vst v34  }
0x274: {  	v23 =	vmul.f32 $8.000000000e+00, v23;
	v35 =	vor.u32 v4, v13;
	v40 =	vld.idx.msk [tilespmem:v61+s18+$0x0], $0xffff;
	[tilespmem:s9+$0x20] =	vst v63  }
0x275: {  	[tilespmem:s0+$0x60] =	vst v56;
	v42 =	vmul.f32 $8.000000000e+00, v20;
	v43 =	vor.u32 v4, v14;
	v37 =	vld.idx.msk [tilespmem:v59+s18+$0x0], $0xffff  }
0x276: {  	[tilespmem:s0+$0xFFFFFFE0] =	vst v23;
	v39 =	vor.u32 v4, v15;
	v12 =	vld.idx.msk [tilespmem:v12+s18+$0x0], $0xffff;
	v38 =	vmul.f32 $8.000000000e+00, v25  }
0x277: {  	v46 =	vor.u32 v4, v16;
	[tilespmem:s6+$0xFFFFFFB0] =	vst v42;
	v41 =	vld.idx.msk [tilespmem:v62+s18+$0x0], $0xffff;
	v26 =	vmul.f32 $8.000000000e+00, v26  }
0x278: {  	v44 =	vor.u32 v4, v17;
	v21 =	vld.idx.msk [tilespmem:v36+s18+$0x0], $0xffff;
	[tilespmem:s6+$0x30] =	vst v38;
	v18 =	vmul.f32 $8.000000000e+00, v33  }
0x279: {  	v9 =	vor.u32 v7, v9;
	v45 =	vld.idx.msk [tilespmem:v35+s18+$0x0], $0xffff;
	[tilespmem:s28+$0xFFFFFFB0] =	vst v26;
	v49 =	vmul.f32 $8.000000000e+00, v40  }
0x27a: {  	v48 =	vor.u32 v6, v10;
	[tilespmem:s28+$0x30] =	vst v18;
	v20 =	vld.idx.msk [tilespmem:v43+s18+$0x0], $0xffff;
	v47 =	vmul.f32 $8.000000000e+00, v37  }
0x27b: {  	v52 =	vmul.f32 $8.000000000e+00, v24;
	v25 =	vld.idx.msk [tilespmem:v39+s18+$0x0], $0xffff;
	v53 =	vor.u32 v5, v11;
	[tilespmem:s9+$0xFFFFFFB0] =	vst v49  }
0x27c: {  	v51 =	vor.u32 v5, v13;
	v50 =	vmul.f32 $8.000000000e+00, v41;
	v55 =	vld.idx.msk [tilespmem:v46+s18+$0x0], $0xffff;
	[tilespmem:s9+$0x30] =	vst v47  }
0x27d: {  	[tilespmem:s1+$0xFFFFFFD0] =	vst v52;
	v56 =	vmul.f32 $8.000000000e+00, v21;
	v57 =	vor.u32 v5, v14;
	v23 =	vld.idx.msk [tilespmem:v44+s18+$0x0], $0xffff  }
0x27e: {  	v54 =	vor.u32 v5, v15;
	v9 =	vld.idx.msk [tilespmem:v9+s18+$0x0], $0xffff;
	[tilespmem:s1+$0x50] =	vst v50;
	v19 =	vmul.f32 $8.000000000e+00, v45  }
0x27f: {  	[tilespmem:s6+$0xFFFFFFC0] =	vst v56;
	v61 =	vor.u32 v5, v16;
	v22 =	vld.idx.msk [tilespmem:v48+s18+$0x0], $0xffff;
	v20 =	vmul.f32 $8.000000000e+00, v20  }
0x280: {  	v58 =	vmul.f32 $8.000000000e+00, v25;
	[tilespmem:s6+$0x40] =	vst v19;
	v59 =	vor.u32 v5, v17;
	v24 =	vld.idx.msk [tilespmem:v53+s18+$0x0], $0xffff  }
0x281: {  	v62 =	vor.u32 v6, v8;
	v60 =	vld.idx.msk [tilespmem:v51+s18+$0x0], $0xffff;
	[tilespmem:s28+$0xFFFFFFC0] =	vst v20;
	v31 =	vmul.f32 $8.000000000e+00, v55  }
0x282: {  	[tilespmem:s28+$0x40] =	vst v58;
	v21 =	vld.idx.msk [tilespmem:v57+s18+$0x0], $0xffff;
	v63 =	vmul.f32 $8.000000000e+00, v23  }
0x283: {  	v12 =	vmul.f32 $8.000000000e+00, v12;
	v34 =	vor.u32 v6, v11;
	v30 =	vld.idx.msk [tilespmem:v54+s18+$0x0], $0xffff;
	[tilespmem:s9+$0xFFFFFFC0] =	vst v31  }
0x284: {  	v32 =	vor.u32 v6, v13;
	v9 =	vmul.f32 $8.000000000e+00, v9;
	v38 =	vld.idx.msk [tilespmem:v61+s18+$0x0], $0xffff;
	[tilespmem:s9+$0x40] =	vst v63  }
0x285: {  	[tilespmem:s0+$0x70] =	vst v12;
	v41 =	vor.u32 v6, v14;
	v40 =	vmul.f32 $8.000000000e+00, v24;
	v35 =	vld.idx.msk [tilespmem:v59+s18+$0x0], $0xffff  }
0x286: {  	[tilespmem:s0+$0xFFFFFFF0] =	vst v9;
	v39 =	vld.idx.msk [tilespmem:v62+s18+$0x0], $0xffff;
	v36 =	vmul.f32 $8.000000000e+00, v60;
	v37 =	vor.u32 v6, v15  }
0x287: {  	v45 =	vor.u32 v6, v16;
	v21 =	vmul.f32 $8.000000000e+00, v21;
	[tilespmem:s6+$0xFFFFFFD0] =	vst v40  }
0x288: {  	v43 =	vor.u32 v6, v17;
	v33 =	vmul.f32 $8.000000000e+00, v22;
	v42 =	vmul.f32 $8.000000000e+00, v30;
	[tilespmem:s6+$0x50] =	vst v36;
	v22 =	vld.idx.msk [tilespmem:v34+s18+$0x0], $0xffff  }
0x289: {  	v8 =	vor.u32 v7, v8;
	v44 =	vld.idx.msk [tilespmem:v32+s18+$0x0], $0xffff;
	[tilespmem:s28+$0xFFFFFFD0] =	vst v21;
	v48 =	vmul.f32 $8.000000000e+00, v38  }
0x28a: {  	v46 =	vor.u32 v7, v10;
	[tilespmem:s28+$0x50] =	vst v42;
	v24 =	vld.idx.msk [tilespmem:v41+s18+$0x0], $0xffff;
	v47 =	vmul.f32 $8.000000000e+00, v35  }
0x28b: {  	v49 =	vmul.f32 $8.000000000e+00, v39;
	v51 =	vor.u32 v7, v11;
	v18 =	vld.idx.msk [tilespmem:v37+s18+$0x0], $0xffff;
	[tilespmem:s9+$0xFFFFFFD0] =	vst v48  }
0x28c: {  	v50 =	vor.u32 v7, v13;
	v53 =	vld.idx.msk [tilespmem:v45+s18+$0x0], $0xffff;
	[tilespmem:s9+$0x50] =	vst v47  }
0x28d: {  	[tilespmem:s1+$0xFFFFFFE0] =	vst v49;
	v55 =	vor.u32 v7, v14;
	v54 =	vmul.f32 $8.000000000e+00, v22;
	v12 =	vld.idx.msk [tilespmem:v43+s18+$0x0], $0xffff  }
0x28e: {  	v52 =	vor.u32 v7, v15;
	v8 =	vld.idx.msk [tilespmem:v8+s18+$0x0], $0xffff;
	[tilespmem:s1+$0x60] =	vst v33;
	v19 =	vmul.f32 $8.000000000e+00, v44  }
0x28f: {  	v58 =	vor.u32 v7, v16;
	v10 =	vld.idx.msk [tilespmem:v46+s18+$0x0], $0xffff;
	v57 =	vmul.f32 $8.000000000e+00, v24;
	[tilespmem:s6+$0xFFFFFFE0] =	vst v54  }
0x290: {  	v17 =	vor.u32 v7, v17;
	[tilespmem:s6+$0x60] =	vst v19;
	v18 =	vmul.f32 $8.000000000e+00, v18;
	v11 =	vld.idx.msk [tilespmem:v51+s18+$0x0], $0xffff  }
0x291: {  	v56 =	vld.idx.msk [tilespmem:v50+s18+$0x0], $0xffff;
	[tilespmem:s28+$0xFFFFFFE0] =	vst v57;
	v60 =	vmul.f32 $8.000000000e+00, v53  }
0x292: {  	[tilespmem:s28+$0x60] =	vst v18;
	v14 =	vld.idx.msk [tilespmem:v55+s18+$0x0], $0xffff;
	v12 =	vmul.f32 $8.000000000e+00, v12  }
0x293: {  	v8 =	vmul.f32 $8.000000000e+00, v8;
	v59 =	vld.idx.msk [tilespmem:v52+s18+$0x0], $0xffff;
	[tilespmem:s9+$0xFFFFFFE0] =	vst v60  }
0x294: {  	v10 =	vmul.f32 $8.000000000e+00, v10;
	v61 =	vld.idx.msk [tilespmem:v58+s18+$0x0], $0xffff;
	[tilespmem:s9+$0x60] =	vst v12  }
0x295: {  	[tilespmem:s1+$0xFFFFFFF0] =	vst v8;
	v8 =	vmul.f32 $8.000000000e+00, v11;
	v12 =	vld.idx.msk [tilespmem:v17+s18+$0x0], $0xffff  }
0x296: {  	[tilespmem:s1+$0x70] =	vst v10;
	v9 =	vmul.f32 $8.000000000e+00, v56  }
0x297: {  	s29 =	sadd.s32 $0x1, s29;
	[tilespmem:s6+$0xFFFFFFF0] =	vst v8;
	v8 =	vmul.f32 $8.000000000e+00, v14  }
0x298: {  	p0 =	sne.s32 s29, $0x32;
	[tilespmem:s6+$0x70] =	vst v9;
	v62 =	vmul.f32 $8.000000000e+00, v59  }
.Ltmp7:
0x299: {  	s31 =	sshll.u32 s30, $0x12;
	[tilespmem:s28+$0xFFFFFFF0] =	vst v8;
	v8 =	vmul.f32 $8.000000000e+00, v61;
	(pc) =	sbr.rel @p0 .LBB2_2-.Ltmp7, $4  }
0x29a: {  	s0 =	sor.u32 s5, s31;
	[tilespmem:s28+$0x70] =	vst v62;
	v63 =	vmul.f32 $8.000000000e+00, v12  }
0x29b: {  	s0 =	sshrl.u32 s0, $0x3;
	[tilespmem:s9+$0xFFFFFFF0] =	vst v8  }
0x29c: {  	s0 =	sadd.s32 s3, s0;
	[tilespmem:s9+$0x70] =	vst v63  }
0x29d: {  	[hbm4b:s0+s10] =	stream.strided.scatter [tilespmem:s23], [sflag:$0x6], $0x2000, s11, s10, $0x38;
	[tilespmem:$0x1A400] =	vst v63  }
0x29e: {  	_ =	swait.ge [sflag:s25], $0x2000  }
0x29f: {  	[sflag:s25] =	ssyncset.done $0x0  }
0x2a0: {  	[sflag:s25] =	ssyncadd.s32 $0xFFFFE000  }
0x2a1: {  	_ =	swait.ge [sflag:s22], $0x2000  }
0x2a2: {  	s1 =	rddreg [dreg:$0x6]  }
0x2a3: {  	s0 =	rddreg [dreg:$0x5];
	s1 =	sadd.s32 $0x1, s1  }
0x2a4: {  	p0 =	sne.s32 s1, s0  }
.Ltmp8:
0x2a5: {  	_ = 	snop;
	(pc) =	sbr.rel @p0 .LBB2_1-.Ltmp8, $3  }
0x2a6: {  	_ =	sdelay $0x1  }
0x2a7: {  	[sflag:s22] =	ssyncset.done $0x0  }
0x2a8: {  	[sflag:s22] =	ssyncadd.s32 $0xFFFFE000  }
0x2a9: {  	_ =	sfence.sel $0x180000  }
0x2aa: {  	[bflag:$0x0] =	sbarrier.arrive $0xFFFF  }
0x2ab: {  	_ =	strace $0x90000047  }
0x2ac: {  	s0 =	stileid.u32;
	[bflag:$0x2] =	sbarrier.arrive $0xFFFF  }
0x2ad: {  	p0 =	sne.s32 s0, $0x0;
	s0 =	rddreg [dreg:$0x3]  }
0x2ae: {  	s0 =	sadd.s32 @!p0 $0x100000, s0  }
0x2af: {  	[sflag:s0] =	ssyncadd.tile.s32 @!p0 $0x1;
	_ =	shalt  }
.Lfunc_end2:
_tile_overlayer_lowered:
.L_overlay_start_2:
0x2b0: {  	(tag) =	ssettag $0x2  }
0x2b1: {  	s0 =	rddreg [dreg:$0x0];
	s2 =	stileid.u32  }
0x2b2: {  	s1 =	rddreg [dreg:$0x1];
	p0 =	sne.s32 s2, $0x0  }
0x2b3: {  	s3 =	rddreg [dreg:$0x2];
	[bflag:$0x3] =	sbarrier.arrive $0xFFFF;
	s2 =	simm.s32 @!p0 $0x1C07  }
0x2b4: {  	[timem:s3], [sflag:s2] =	dma.local @!p0 [hbm:s0], s1  }
0x2b5: {  	s0 =	simm.s32 @!p0 $0x7  }
0x2b6: {  	_ =	swait.ge @!p0 [sflag:s0], s1  }
0x2b7: {  	s1 =	ssub.s32 @!p0 $0x0, s1;
	[sflag:s0] =	ssyncset.done @!p0 $0x0  }
0x2b8: {  	[sflag:s0] =	ssyncadd.s32 @!p0 s1  }
0x2b9: {  	[bflag:$0x3] =	sbarrier.arrive $0xFFFF  }
0x2ba: {  	_ =	shalt  }

</sc_bundles>
